<compile_context>
chip_gen: v7x
topology: tpu7x:2x2x1
jax: 0.10.2.dev20260603
libtpu: 0.0.44.dev20260713+nightly
codegen_flags: <defaults>
</compile_context>

<pallas_src>
import functools

import jax
import jax.numpy as jnp
from jax import lax
from jax.experimental import pallas as pl
from jax.experimental.pallas import tpu as pltpu
from jax.experimental.pallas import tpu_sc as plsc

_NC = 2
_NS = 16
_NW = _NC * _NS
_LANES = 16

_R = 128


def _make_sc_cumsum(b, t, d):
    dchunk = d // (_NW // b)
    ncg = dchunk // _LANES
    nblocks = t // _R
    chunks_per_batch = d // dchunk

    mesh = plsc.VectorSubcoreMesh(core_axis_name="c", subcore_axis_name="s")

    @functools.partial(
        pl.kernel,
        mesh=mesh,
        out_type=jax.ShapeDtypeStruct((b, t, d), jnp.float32),
        scratch_types=[
            pltpu.VMEM((2, _R, dchunk), jnp.float32),
            pltpu.VMEM((2, _R, dchunk), jnp.float32),
            pltpu.SemaphoreType.DMA,
            pltpu.SemaphoreType.DMA,
            pltpu.SemaphoreType.DMA,
            pltpu.SemaphoreType.DMA,
        ],
    )
    def sc_cumsum(x_hbm, out_hbm, inbuf, outbuf,
                  insem0, insem1, outsem0, outsem1):
        wid = lax.axis_index("s") * _NC + lax.axis_index("c")
        bi = wid // chunks_per_batch
        d0 = (wid % chunks_per_batch) * dchunk
        insems = (insem0, insem1)
        outsems = (outsem0, outsem1)

        def hbm_block(g):
            return x_hbm.at[bi, pl.ds(g * _R, _R), pl.ds(d0, dchunk)]

        def hbm_out_block(g):
            return out_hbm.at[bi, pl.ds(g * _R, _R), pl.ds(d0, dchunk)]

        pltpu.async_copy(hbm_block(0), inbuf.at[0], insems[0])
        pltpu.async_copy(hbm_block(1), inbuf.at[1], insems[1])

        ng2 = nblocks // 2

        def pair_body(g2, carries):
            for slot in range(2):
                g = g2 * 2 + slot
                ibuf = inbuf.at[slot]
                obuf = outbuf.at[slot]
                pltpu.make_async_copy(hbm_block(g), ibuf, insems[slot]).wait()

                @pl.when(g2 > 0)
                def _():
                    pltpu.make_async_copy(
                        obuf, hbm_out_block(g), outsems[slot]).wait()

                def row_body(i, cs):
                    new = []
                    for c in range(ncg):
                        v = ibuf[i, pl.ds(c * _LANES, _LANES)]
                        nv = cs[c] + v
                        obuf[i, pl.ds(c * _LANES, _LANES)] = nv
                        new.append(nv)
                    return tuple(new)

                carries = lax.fori_loop(0, _R, row_body, carries, unroll=2)
                plsc.subcore_barrier()
                pltpu.async_copy(obuf, hbm_out_block(g), outsems[slot])

                @pl.when(g2 < ng2 - 1)
                def _():
                    pltpu.async_copy(hbm_block(g + 2), ibuf, insems[slot])
            return carries

        zero = jnp.zeros((_LANES,), jnp.float32)
        lax.fori_loop(0, ng2, pair_body, (zero,) * ncg)

        pltpu.make_async_copy(
            outbuf.at[0], hbm_out_block(nblocks - 2), outsems[0]).wait()
        pltpu.make_async_copy(
            outbuf.at[1], hbm_out_block(nblocks - 1), outsems[1]).wait()

    return sc_cumsum


def kernel(x):
    b, t, d = x.shape
    out = _make_sc_cumsum(b, t, d)(x.astype(jnp.float32))
    return out.astype(x.dtype)

# --- scband reference (transcript-rebuilt; emitter-appended) ---
"""Pipeline reference for scband-model-new-23656679866789 (READ-ONLY COPY).

The authoritative reference and input builder live on the scoring server;
editing this copy changes nothing except your own understanding.
"""

import jax, jax.numpy as jnp
import numpy as np

def setup_inputs(seed: int = 0) -> dict:
    key = jax.random.key(seed)
    x = jax.random.normal(key, (2, 4096, 4096), dtype=jnp.float32)
    return {"x": x}

def reference(x):
    # Faithful translation of the module: float32 cumulative sum along dim=1.
    # The CUDA kernel permutes the scan dim to last, runs a tiled warp-scan,
    # then permutes back; mathematically this is exactly cumsum along dim=1.
    orig_dtype = x.dtype
    out = jnp.cumsum(x.astype(jnp.float32), axis=1)
    return out.astype(orig_dtype)

if __name__ == "__main__":
    import jax
    _d = setup_inputs()
    print(jax.jit(kernel)(*tuple(_d.values())))

</pallas_src>

<mosaic_0001>
#map = affine_map<(d0, d1) -> (0, 0, 0)>
module attributes {stable_mosaic.version = 14 : i64} {
  func.func @sc_cumsum(%arg0: i32, %arg1: i32, %arg2: memref<2x4096x4096xf32, #tpu.memory_space<hbm>>, %arg3: memref<2x4096x4096xf32, #tpu.memory_space<hbm>>, %arg4: memref<2x128x256xf32, #tpu.memory_space<vmem>>, %arg5: memref<2x128x256xf32, #tpu.memory_space<vmem>>, %arg6: memref<!tpu.dma_semaphore, #tpu.memory_space<semaphore_mem>>, %arg7: memref<!tpu.dma_semaphore, #tpu.memory_space<semaphore_mem>>, %arg8: memref<!tpu.dma_semaphore, #tpu.memory_space<semaphore_mem>>, %arg9: memref<!tpu.dma_semaphore, #tpu.memory_space<semaphore_mem>>) attributes {dimension_semantics = [#tpu.dimension_semantics<core_parallel>, #tpu.dimension_semantics<subcore_parallel>], iteration_bounds = array<i64: 2, 16>, scalar_prefetch = 0 : i64, scratch_operands = 6 : i64, tpu.core_type = #tpu.core_type<sc_vector_subcore>, window_params = [{transform_indices = #map}, {transform_indices = #map}]} {
    %mul3A = arith.constant 2 : i32
    %mul3A_0 = arith.muli %arg1, %mul3A : i32
    %add3A = arith.addi %mul3A_0, %arg0 : i32
    %jit3A = arith.constant 16 : i32
    %div3A = arith.divsi %add3A, %jit3A : i32
    %sign3A = arith.constant 0 : i32
    %sign3A_1 = arith.cmpi sgt, %add3A, %sign3A : i32
    %sign3A_2 = arith.extui %sign3A_1 : i1 to i32
    %sign3A_3 = arith.constant 0 : i32
    %sign3A_4 = arith.cmpi slt, %add3A, %sign3A_3 : i32
    %sign3A_5 = arith.extui %sign3A_4 : i1 to i32
    %sign3A_6 = arith.subi %sign3A_2, %sign3A_5 : i32
    %sign3A_7 = arith.constant 0 : i32
    %sign3A_8 = arith.cmpi sgt, %jit3A, %sign3A_7 : i32
    %sign3A_9 = arith.extui %sign3A_8 : i1 to i32
    %sign3A_10 = arith.constant 0 : i32
    %sign3A_11 = arith.cmpi slt, %jit3A, %sign3A_10 : i32
    %sign3A_12 = arith.extui %sign3A_11 : i1 to i32
    %sign3A_13 = arith.subi %sign3A_9, %sign3A_12 : i32
    %ne3A = arith.cmpi ne, %sign3A_6, %sign3A_13 : i32
    %rem3A = arith.remsi %add3A, %jit3A : i32
    %ne3A_14 = arith.constant 0 : i32
    %ne3A_15 = arith.cmpi ne, %rem3A, %ne3A_14 : i32
    %and3A = arith.andi %ne3A, %ne3A_15 : i1
    %sub3A = arith.constant 1 : i32
    %sub3A_16 = arith.subi %div3A, %sub3A : i32
    %select_n3A = arith.select %and3A, %sub3A_16, %div3A : i32
    %jit3A_17 = arith.constant 16 : i32
    %eq3A = arith.constant 0 : i32
    %eq3A_18 = arith.cmpi eq, %jit3A_17, %eq3A : i32
    %jit3A_19 = arith.constant 1 : i32
    %select_n3A_20 = arith.select %eq3A_18, %jit3A_19, %jit3A_17 : i32
    %rem3A_21 = arith.remsi %add3A, %select_n3A_20 : i32
    %ne3A_22 = arith.constant 0 : i32
    %ne3A_23 = arith.cmpi ne, %rem3A_21, %ne3A_22 : i32
    %lt3A = arith.constant 0 : i32
    %lt3A_24 = arith.cmpi slt, %rem3A_21, %lt3A : i32
    %lt3A_25 = arith.constant 0 : i32
    %lt3A_26 = arith.cmpi slt, %select_n3A_20, %lt3A_25 : i32
    %ne3A_27 = arith.xori %lt3A_24, %lt3A_26 : i1
    %and3A_28 = arith.andi %ne3A_27, %ne3A_23 : i1
    %add3A_29 = arith.addi %rem3A_21, %select_n3A_20 : i32
    %select_n3A_30 = arith.select %and3A_28, %add3A_29, %rem3A_21 : i32
    %mul3A_31 = arith.constant 256 : i32
    %mul3A_32 = arith.muli %select_n3A_30, %mul3A_31 : i32
    %dma_start3A = arith.constant 0 : i32
    %dma_start3A_33 = arith.constant 0 : i32
    %dma_start3A_34 = arith.constant 0 : i32
    %dma_start3A_35 = tpu.memref_slice %arg4[%dma_start3A, %dma_start3A_33, %dma_start3A_34] : memref<2x128x256xf32, #tpu.memory_space<vmem>> -> memref<1x128x256xf32, #tpu.memory_space<vmem>>
    %dma_start3A_36 = tpu.memref_squeeze %dma_start3A_35 : memref<1x128x256xf32, #tpu.memory_space<vmem>> -> memref<128x256xf32, #tpu.memory_space<vmem>>
    %dma_start3A_37 = arith.constant 0 : i32
    %dma_start3A_38 = tpu.memref_slice %arg2[%select_n3A, %dma_start3A_37, %mul3A_32] : memref<2x4096x4096xf32, #tpu.memory_space<hbm>> -> memref<1x128x256xf32, #tpu.memory_space<hbm>>
    %dma_start3A_39 = tpu.memref_squeeze %dma_start3A_38 : memref<1x128x256xf32, #tpu.memory_space<hbm>> -> memref<128x256xf32, #tpu.memory_space<hbm>>
    %dma_start3A_40 = arith.constant 0 : i32
    %dma_start3A_41 = arith.constant 0 : i32
    %dma_start3A_42 = tpu.memref_slice %arg4[%dma_start3A, %dma_start3A_40, %dma_start3A_41] : memref<2x128x256xf32, #tpu.memory_space<vmem>> -> memref<1x128x256xf32, #tpu.memory_space<vmem>>
    %dma_start3A_43 = tpu.memref_squeeze %dma_start3A_42 : memref<1x128x256xf32, #tpu.memory_space<vmem>> -> memref<128x256xf32, #tpu.memory_space<vmem>>
    %dma_start3A_44 = arith.constant 0 : i32
    %dma_start3A_45 = tpu.memref_slice %arg2[%select_n3A, %dma_start3A_44, %mul3A_32] : memref<2x4096x4096xf32, #tpu.memory_space<hbm>> -> memref<1x128x256xf32, #tpu.memory_space<hbm>>
    %dma_start3A_46 = tpu.memref_squeeze %dma_start3A_45 : memref<1x128x256xf32, #tpu.memory_space<hbm>> -> memref<128x256xf32, #tpu.memory_space<hbm>>
    tpu.enqueue_dma source(%dma_start3A_46 : memref<128x256xf32, #tpu.memory_space<hbm>>) target(%dma_start3A_43 : memref<128x256xf32, #tpu.memory_space<vmem>>) target_semaphore(%arg6 : memref<!tpu.dma_semaphore, #tpu.memory_space<semaphore_mem>>)
    %dma_start3A_47 = arith.constant 1 : i32
    %dma_start3A_48 = arith.constant 0 : i32
    %dma_start3A_49 = arith.constant 0 : i32
    %dma_start3A_50 = tpu.memref_slice %arg4[%dma_start3A_47, %dma_start3A_48, %dma_start3A_49] : memref<2x128x256xf32, #tpu.memory_space<vmem>> -> memref<1x128x256xf32, #tpu.memory_space<vmem>>
    %dma_start3A_51 = tpu.memref_squeeze %dma_start3A_50 : memref<1x128x256xf32, #tpu.memory_space<vmem>> -> memref<128x256xf32, #tpu.memory_space<vmem>>
    %dma_start3A_52 = arith.constant 128 : i32
    %dma_start3A_53 = tpu.memref_slice %arg2[%select_n3A, %dma_start3A_52, %mul3A_32] : memref<2x4096x4096xf32, #tpu.memory_space<hbm>> -> memref<1x128x256xf32, #tpu.memory_space<hbm>>
    %dma_start3A_54 = tpu.memref_squeeze %dma_start3A_53 : memref<1x128x256xf32, #tpu.memory_space<hbm>> -> memref<128x256xf32, #tpu.memory_space<hbm>>
    %dma_start3A_55 = arith.constant 0 : i32
    %dma_start3A_56 = arith.constant 0 : i32
    %dma_start3A_57 = tpu.memref_slice %arg4[%dma_start3A_47, %dma_start3A_55, %dma_start3A_56] : memref<2x128x256xf32, #tpu.memory_space<vmem>> -> memref<1x128x256xf32, #tpu.memory_space<vmem>>
    %dma_start3A_58 = tpu.memref_squeeze %dma_start3A_57 : memref<1x128x256xf32, #tpu.memory_space<vmem>> -> memref<128x256xf32, #tpu.memory_space<vmem>>
    %dma_start3A_59 = arith.constant 128 : i32
    %dma_start3A_60 = tpu.memref_slice %arg2[%select_n3A, %dma_start3A_59, %mul3A_32] : memref<2x4096x4096xf32, #tpu.memory_space<hbm>> -> memref<1x128x256xf32, #tpu.memory_space<hbm>>
    %dma_start3A_61 = tpu.memref_squeeze %dma_start3A_60 : memref<1x128x256xf32, #tpu.memory_space<hbm>> -> memref<128x256xf32, #tpu.memory_space<hbm>>
    tpu.enqueue_dma source(%dma_start3A_61 : memref<128x256xf32, #tpu.memory_space<hbm>>) target(%dma_start3A_58 : memref<128x256xf32, #tpu.memory_space<vmem>>) target_semaphore(%arg7 : memref<!tpu.dma_semaphore, #tpu.memory_space<semaphore_mem>>)
    %broadcast_in_dim3A = arith.constant 0.000000e+00 : f32
    %broadcast_in_dim3A_62 = vector.broadcast %broadcast_in_dim3A : f32 to vector<16xf32>
    %scan3A = arith.constant 0 : i32
    %scan3A_63 = arith.constant 16 : i32
    %scan3A_64 = arith.addi %scan3A, %scan3A_63 : i32
    %scan3A_65 = arith.constant 1 : i32
    %scan3A_66:16 = scf.for %scan3A_97 = %scan3A to %scan3A_64 step %scan3A_65 iter_args(%scan3A_98 = %broadcast_in_dim3A_62, %scan3A_99 = %broadcast_in_dim3A_62, %scan3A_100 = %broadcast_in_dim3A_62, %scan3A_101 = %broadcast_in_dim3A_62, %scan3A_102 = %broadcast_in_dim3A_62, %scan3A_103 = %broadcast_in_dim3A_62, %scan3A_104 = %broadcast_in_dim3A_62, %scan3A_105 = %broadcast_in_dim3A_62, %scan3A_106 = %broadcast_in_dim3A_62, %scan3A_107 = %broadcast_in_dim3A_62, %scan3A_108 = %broadcast_in_dim3A_62, %scan3A_109 = %broadcast_in_dim3A_62, %scan3A_110 = %broadcast_in_dim3A_62, %scan3A_111 = %broadcast_in_dim3A_62, %scan3A_112 = %broadcast_in_dim3A_62, %scan3A_113 = %broadcast_in_dim3A_62) -> (vector<16xf32>, vector<16xf32>, vector<16xf32>, vector<16xf32>, vector<16xf32>, vector<16xf32>, vector<16xf32>, vector<16xf32>, vector<16xf32>, vector<16xf32>, vector<16xf32>, vector<16xf32>, vector<16xf32>, vector<16xf32>, vector<16xf32>, vector<16xf32>)  : i32 {
      %mul3A_114 = arith.constant 2 : i32
      %mul3A_115 = arith.muli %scan3A_97, %mul3A_114 : i32
      %add3A_116 = arith.constant 0 : i32
      %add3A_117 = arith.addi %mul3A_115, %add3A_116 : i32
      %mul3A_118 = arith.constant 128 : i32
      %mul3A_119 = arith.muli %add3A_117, %mul3A_118 : i32
      %dma_wait3A_120 = arith.constant 0 : i32
      %dma_wait3A_121 = arith.constant 0 : i32
      %dma_wait3A_122 = arith.constant 0 : i32
      %dma_wait3A_123 = tpu.memref_slice %arg4[%dma_wait3A_120, %dma_wait3A_121, %dma_wait3A_122] : memref<2x128x256xf32, #tpu.memory_space<vmem>> -> memref<1x128x256xf32, #tpu.memory_space<vmem>>
      %dma_wait3A_124 = tpu.memref_squeeze %dma_wait3A_123 : memref<1x128x256xf32, #tpu.memory_space<vmem>> -> memref<128x256xf32, #tpu.memory_space<vmem>>
      %dma_wait3A_125 = tpu.memref_slice %arg2[%select_n3A, %mul3A_119, %mul3A_32] : memref<2x4096x4096xf32, #tpu.memory_space<hbm>> -> memref<1x128x256xf32, #tpu.memory_space<hbm>>
      %dma_wait3A_126 = tpu.memref_squeeze %dma_wait3A_125 : memref<1x128x256xf32, #tpu.memory_space<hbm>> -> memref<128x256xf32, #tpu.memory_space<hbm>>
      %dma_wait3A_127 = arith.constant 0 : i32
      %dma_wait3A_128 = arith.constant 0 : i32
      %dma_wait3A_129 = tpu.memref_slice %arg4[%dma_wait3A_120, %dma_wait3A_127, %dma_wait3A_128] : memref<2x128x256xf32, #tpu.memory_space<vmem>> -> memref<1x128x256xf32, #tpu.memory_space<vmem>>
      %dma_wait3A_130 = tpu.memref_squeeze %dma_wait3A_129 : memref<1x128x256xf32, #tpu.memory_space<vmem>> -> memref<128x256xf32, #tpu.memory_space<vmem>>
      %dma_wait3A_131 = tpu.memref_slice %arg2[%select_n3A, %mul3A_119, %mul3A_32] : memref<2x4096x4096xf32, #tpu.memory_space<hbm>> -> memref<1x128x256xf32, #tpu.memory_space<hbm>>
      %dma_wait3A_132 = tpu.memref_squeeze %dma_wait3A_131 : memref<1x128x256xf32, #tpu.memory_space<hbm>> -> memref<128x256xf32, #tpu.memory_space<hbm>>
      tpu.wait_dma2 semaphore(%arg6 : memref<!tpu.dma_semaphore, #tpu.memory_space<semaphore_mem>>) src(%dma_wait3A_132 : memref<128x256xf32, #tpu.memory_space<hbm>>) dst(%dma_wait3A_130 : memref<128x256xf32, #tpu.memory_space<vmem>>)
      %gt3A = arith.constant 0 : i32
      %gt3A_133 = arith.cmpi sgt, %scan3A_97, %gt3A : i32
      %convert_element_type3A = arith.extui %gt3A_133 : i1 to i32
      %cond3A = arith.constant 0 : i32
      %cond3A_134 = arith.constant 0 : i32
      %cond3A_135 = arith.cmpi ne, %convert_element_type3A, %cond3A_134 : i32
      scf.if %cond3A_135 {
        %mul3A_220 = arith.constant 128 : i32
        %mul3A_221 = arith.muli %add3A_117, %mul3A_220 : i32
        %dma_wait3A_222 = arith.constant 0 : i32
        %dma_wait3A_223 = arith.constant 0 : i32
        %dma_wait3A_224 = tpu.memref_slice %arg5[%cond3A, %dma_wait3A_222, %dma_wait3A_223] : memref<2x128x256xf32, #tpu.memory_space<vmem>> -> memref<1x128x256xf32, #tpu.memory_space<vmem>>
        %dma_wait3A_225 = tpu.memref_squeeze %dma_wait3A_224 : memref<1x128x256xf32, #tpu.memory_space<vmem>> -> memref<128x256xf32, #tpu.memory_space<vmem>>
        %dma_wait3A_226 = tpu.memref_slice %arg3[%select_n3A, %mul3A_221, %mul3A_32] : memref<2x4096x4096xf32, #tpu.memory_space<hbm>> -> memref<1x128x256xf32, #tpu.memory_space<hbm>>
        %dma_wait3A_227 = tpu.memref_squeeze %dma_wait3A_226 : memref<1x128x256xf32, #tpu.memory_space<hbm>> -> memref<128x256xf32, #tpu.memory_space<hbm>>
        %dma_wait3A_228 = tpu.memref_slice %arg3[%select_n3A, %mul3A_221, %mul3A_32] : memref<2x4096x4096xf32, #tpu.memory_space<hbm>> -> memref<1x128x256xf32, #tpu.memory_space<hbm>>
        %dma_wait3A_229 = tpu.memref_squeeze %dma_wait3A_228 : memref<1x128x256xf32, #tpu.memory_space<hbm>> -> memref<128x256xf32, #tpu.memory_space<hbm>>
        %dma_wait3A_230 = arith.constant 0 : i32
        %dma_wait3A_231 = arith.constant 0 : i32
        %dma_wait3A_232 = tpu.memref_slice %arg5[%cond3A, %dma_wait3A_230, %dma_wait3A_231] : memref<2x128x256xf32, #tpu.memory_space<vmem>> -> memref<1x128x256xf32, #tpu.memory_space<vmem>>
        %dma_wait3A_233 = tpu.memref_squeeze %dma_wait3A_232 : memref<1x128x256xf32, #tpu.memory_space<vmem>> -> memref<128x256xf32, #tpu.memory_space<vmem>>
        tpu.wait_dma2 semaphore(%arg8 : memref<!tpu.dma_semaphore, #tpu.memory_space<semaphore_mem>>) src(%dma_wait3A_233 : memref<128x256xf32, #tpu.memory_space<vmem>>) dst(%dma_wait3A_229 : memref<128x256xf32, #tpu.memory_space<hbm>>)
      } else {
      }
      %scan3A_136 = arith.constant 0 : i32
      %scan3A_137 = arith.constant 0 : i32
      %scan3A_138 = arith.constant 0 : i32
      %scan3A_139 = arith.constant 128 : i32
      %scan3A_140 = arith.addi %scan3A_138, %scan3A_139 : i32
      %scan3A_141 = arith.constant 2 : i32
      %scan3A_142:16 = scf.for %scan3A_220 = %scan3A_138 to %scan3A_140 step %scan3A_141 iter_args(%scan3A_221 = %scan3A_98, %scan3A_222 = %scan3A_99, %scan3A_223 = %scan3A_100, %scan3A_224 = %scan3A_101, %scan3A_225 = %scan3A_102, %scan3A_226 = %scan3A_103, %scan3A_227 = %scan3A_104, %scan3A_228 = %scan3A_105, %scan3A_229 = %scan3A_106, %scan3A_230 = %scan3A_107, %scan3A_231 = %scan3A_108, %scan3A_232 = %scan3A_109, %scan3A_233 = %scan3A_110, %scan3A_234 = %scan3A_111, %scan3A_235 = %scan3A_112, %scan3A_236 = %scan3A_113) -> (vector<16xf32>, vector<16xf32>, vector<16xf32>, vector<16xf32>, vector<16xf32>, vector<16xf32>, vector<16xf32>, vector<16xf32>, vector<16xf32>, vector<16xf32>, vector<16xf32>, vector<16xf32>, vector<16xf32>, vector<16xf32>, vector<16xf32>, vector<16xf32>)  : i32 {
        %get3A = arith.constant 0 : i32
        %get3A_237 = arith.constant 0 : i32
        %get3A_238 = tpu.memref_slice %arg4[%scan3A_136, %get3A, %get3A_237] : memref<2x128x256xf32, #tpu.memory_space<vmem>> -> memref<1x128x256xf32, #tpu.memory_space<vmem>>
        %get3A_239 = tpu.memref_squeeze %get3A_238 : memref<1x128x256xf32, #tpu.memory_space<vmem>> -> memref<128x256xf32, #tpu.memory_space<vmem>>
        %get3A_240 = arith.index_cast %scan3A_220 : i32 to index
        %get3A_241 = arith.constant 0 : index
        %get3A_242 = tpu.vector_load %get3A_239[%get3A_240, %get3A_241] {strides = array<i32>} : memref<128x256xf32, #tpu.memory_space<vmem>>, vector<1x16xf32>,
        %get3A_243 = vector.shape_cast %get3A_242 : vector<1x16xf32> to vector<16xf32>
        %add3A_244 = arith.addf %scan3A_221, %get3A_243 : vector<16xf32>
        %swap3A = arith.constant 0 : i32
        %swap3A_245 = arith.constant 0 : i32
        %swap3A_246 = tpu.memref_slice %arg5[%scan3A_137, %swap3A, %swap3A_245] : memref<2x128x256xf32, #tpu.memory_space<vmem>> -> memref<1x128x256xf32, #tpu.memory_space<vmem>>
        %swap3A_247 = tpu.memref_squeeze %swap3A_246 : memref<1x128x256xf32, #tpu.memory_space<vmem>> -> memref<128x256xf32, #tpu.memory_space<vmem>>
        %swap3A_248 = arith.index_cast %scan3A_220 : i32 to index
        %swap3A_249 = arith.constant 0 : index
        %swap3A_250 = tpu.vector_load %swap3A_247[%swap3A_248, %swap3A_249] {strides = array<i32>} : memref<128x256xf32, #tpu.memory_space<vmem>>, vector<1x16xf32>,
        %swap3A_251 = vector.shape_cast %swap3A_250 : vector<1x16xf32> to vector<16xf32>
        %swap3A_252 = vector.shape_cast %add3A_244 : vector<16xf32> to vector<1x16xf32>
        tpu.vector_store %swap3A_247[%swap3A_248, %swap3A_249], %swap3A_252 {strides = array<i32>} : memref<128x256xf32, #tpu.memory_space<vmem>>, vector<1x16xf32>,
        %get3A_253 = arith.constant 0 : i32
        %get3A_254 = arith.constant 0 : i32
        %get3A_255 = tpu.memref_slice %arg4[%scan3A_136, %get3A_253, %get3A_254] : memref<2x128x256xf32, #tpu.memory_space<vmem>> -> memref<1x128x256xf32, #tpu.memory_space<vmem>>
        %get3A_256 = tpu.memref_squeeze %get3A_255 : memref<1x128x256xf32, #tpu.memory_space<vmem>> -> memref<128x256xf32, #tpu.memory_space<vmem>>
        %get3A_257 = arith.index_cast %scan3A_220 : i32 to index
        %get3A_258 = arith.constant 16 : index
        %get3A_259 = tpu.vector_load %get3A_256[%get3A_257, %get3A_258] {strides = array<i32>} : memref<128x256xf32, #tpu.memory_space<vmem>>, vector<1x16xf32>,
        %get3A_260 = vector.shape_cast %get3A_259 : vector<1x16xf32> to vector<16xf32>
        %add3A_261 = arith.addf %scan3A_222, %get3A_260 : vector<16xf32>
        %swap3A_262 = arith.constant 0 : i32
        %swap3A_263 = arith.constant 0 : i32
        %swap3A_264 = tpu.memref_slice %arg5[%scan3A_137, %swap3A_262, %swap3A_263] : memref<2x128x256xf32, #tpu.memory_space<vmem>> -> memref<1x128x256xf32, #tpu.memory_space<vmem>>
        %swap3A_265 = tpu.memref_squeeze %swap3A_264 : memref<1x128x256xf32, #tpu.memory_space<vmem>> -> memref<128x256xf32, #tpu.memory_space<vmem>>
        %swap3A_266 = arith.index_cast %scan3A_220 : i32 to index
        %swap3A_267 = arith.constant 16 : index
        %swap3A_268 = tpu.vector_load %swap3A_265[%swap3A_266, %swap3A_267] {strides = array<i32>} : memref<128x256xf32, #tpu.memory_space<vmem>>, vector<1x16xf32>,
        %swap3A_269 = vector.shape_cast %swap3A_268 : vector<1x16xf32> to vector<16xf32>
        %swap3A_270 = vector.shape_cast %add3A_261 : vector<16xf32> to vector<1x16xf32>
        tpu.vector_store %swap3A_265[%swap3A_266, %swap3A_267], %swap3A_270 {strides = array<i32>} : memref<128x256xf32, #tpu.memory_space<vmem>>, vector<1x16xf32>,
        %get3A_271 = arith.constant 0 : i32
        %get3A_272 = arith.constant 0 : i32
        %get3A_273 = tpu.memref_slice %arg4[%scan3A_136, %get3A_271, %get3A_272] : memref<2x128x256xf32, #tpu.memory_space<vmem>> -> memref<1x128x256xf32, #tpu.memory_space<vmem>>
        %get3A_274 = tpu.memref_squeeze %get3A_273 : memref<1x128x256xf32, #tpu.memory_space<vmem>> -> memref<128x256xf32, #tpu.memory_space<vmem>>
        %get3A_275 = arith.index_cast %scan3A_220 : i32 to index
        %get3A_276 = arith.constant 32 : index
        %get3A_277 = tpu.vector_load %get3A_274[%get3A_275, %get3A_276] {strides = array<i32>} : memref<128x256xf32, #tpu.memory_space<vmem>>, vector<1x16xf32>,
        %get3A_278 = vector.shape_cast %get3A_277 : vector<1x16xf32> to vector<16xf32>
        %add3A_279 = arith.addf %scan3A_223, %get3A_278 : vector<16xf32>
        %swap3A_280 = arith.constant 0 : i32
        %swap3A_281 = arith.constant 0 : i32
        %swap3A_282 = tpu.memref_slice %arg5[%scan3A_137, %swap3A_280, %swap3A_281] : memref<2x128x256xf32, #tpu.memory_space<vmem>> -> memref<1x128x256xf32, #tpu.memory_space<vmem>>
        %swap3A_283 = tpu.memref_squeeze %swap3A_282 : memref<1x128x256xf32, #tpu.memory_space<vmem>> -> memref<128x256xf32, #tpu.memory_space<vmem>>
        %swap3A_284 = arith.index_cast %scan3A_220 : i32 to index
        %swap3A_285 = arith.constant 32 : index
        %swap3A_286 = tpu.vector_load %swap3A_283[%swap3A_284, %swap3A_285] {strides = array<i32>} : memref<128x256xf32, #tpu.memory_space<vmem>>, vector<1x16xf32>,
        %swap3A_287 = vector.shape_cast %swap3A_286 : vector<1x16xf32> to vector<16xf32>
        %swap3A_288 = vector.shape_cast %add3A_279 : vector<16xf32> to vector<1x16xf32>
        tpu.vector_store %swap3A_283[%swap3A_284, %swap3A_285], %swap3A_288 {strides = array<i32>} : memref<128x256xf32, #tpu.memory_space<vmem>>, vector<1x16xf32>,
        %get3A_289 = arith.constant 0 : i32
        %get3A_290 = arith.constant 0 : i32
        %get3A_291 = tpu.memref_slice %arg4[%scan3A_136, %get3A_289, %get3A_290] : memref<2x128x256xf32, #tpu.memory_space<vmem>> -> memref<1x128x256xf32, #tpu.memory_space<vmem>>
        %get3A_292 = tpu.memref_squeeze %get3A_291 : memref<1x128x256xf32, #tpu.memory_space<vmem>> -> memref<128x256xf32, #tpu.memory_space<vmem>>
        %get3A_293 = arith.index_cast %scan3A_220 : i32 to index
        %get3A_294 = arith.constant 48 : index
        %get3A_295 = tpu.vector_load %get3A_292[%get3A_293, %get3A_294] {strides = array<i32>} : memref<128x256xf32, #tpu.memory_space<vmem>>, vector<1x16xf32>,
        %get3A_296 = vector.shape_cast %get3A_295 : vector<1x16xf32> to vector<16xf32>
        %add3A_297 = arith.addf %scan3A_224, %get3A_296 : vector<16xf32>
        %swap3A_298 = arith.constant 0 : i32
        %swap3A_299 = arith.constant 0 : i32
        %swap3A_300 = tpu.memref_slice %arg5[%scan3A_137, %swap3A_298, %swap3A_299] : memref<2x128x256xf32, #tpu.memory_space<vmem>> -> memref<1x128x256xf32, #tpu.memory_space<vmem>>
        %swap3A_301 = tpu.memref_squeeze %swap3A_300 : memref<1x128x256xf32, #tpu.memory_space<vmem>> -> memref<128x256xf32, #tpu.memory_space<vmem>>
        %swap3A_302 = arith.index_cast %scan3A_220 : i32 to index
        %swap3A_303 = arith.constant 48 : index
        %swap3A_304 = tpu.vector_load %swap3A_301[%swap3A_302, %swap3A_303] {strides = array<i32>} : memref<128x256xf32, #tpu.memory_space<vmem>>, vector<1x16xf32>,
        %swap3A_305 = vector.shape_cast %swap3A_304 : vector<1x16xf32> to vector<16xf32>
        %swap3A_306 = vector.shape_cast %add3A_297 : vector<16xf32> to vector<1x16xf32>
        tpu.vector_store %swap3A_301[%swap3A_302, %swap3A_303], %swap3A_306 {strides = array<i32>} : memref<128x256xf32, #tpu.memory_space<vmem>>, vector<1x16xf32>,
        %get3A_307 = arith.constant 0 : i32
        %get3A_308 = arith.constant 0 : i32
        %get3A_309 = tpu.memref_slice %arg4[%scan3A_136, %get3A_307, %get3A_308] : memref<2x128x256xf32, #tpu.memory_space<vmem>> -> memref<1x128x256xf32, #tpu.memory_space<vmem>>
        %get3A_310 = tpu.memref_squeeze %get3A_309 : memref<1x128x256xf32, #tpu.memory_space<vmem>> -> memref<128x256xf32, #tpu.memory_space<vmem>>
        %get3A_311 = arith.index_cast %scan3A_220 : i32 to index
        %get3A_312 = arith.constant 64 : index
        %get3A_313 = tpu.vector_load %get3A_310[%get3A_311, %get3A_312] {strides = array<i32>} : memref<128x256xf32, #tpu.memory_space<vmem>>, vector<1x16xf32>,
        %get3A_314 = vector.shape_cast %get3A_313 : vector<1x16xf32> to vector<16xf32>
        %add3A_315 = arith.addf %scan3A_225, %get3A_314 : vector<16xf32>
        %swap3A_316 = arith.constant 0 : i32
        %swap3A_317 = arith.constant 0 : i32
        %swap3A_318 = tpu.memref_slice %arg5[%scan3A_137, %swap3A_316, %swap3A_317] : memref<2x128x256xf32, #tpu.memory_space<vmem>> -> memref<1x128x256xf32, #tpu.memory_space<vmem>>
        %swap3A_319 = tpu.memref_squeeze %swap3A_318 : memref<1x128x256xf32, #tpu.memory_space<vmem>> -> memref<128x256xf32, #tpu.memory_space<vmem>>
        %swap3A_320 = arith.index_cast %scan3A_220 : i32 to index
        %swap3A_321 = arith.constant 64 : index
        %swap3A_322 = tpu.vector_load %swap3A_319[%swap3A_320, %swap3A_321] {strides = array<i32>} : memref<128x256xf32, #tpu.memory_space<vmem>>, vector<1x16xf32>,
        %swap3A_323 = vector.shape_cast %swap3A_322 : vector<1x16xf32> to vector<16xf32>
        %swap3A_324 = vector.shape_cast %add3A_315 : vector<16xf32> to vector<1x16xf32>
        tpu.vector_store %swap3A_319[%swap3A_320, %swap3A_321], %swap3A_324 {strides = array<i32>} : memref<128x256xf32, #tpu.memory_space<vmem>>, vector<1x16xf32>,
        %get3A_325 = arith.constant 0 : i32
        %get3A_326 = arith.constant 0 : i32
        %get3A_327 = tpu.memref_slice %arg4[%scan3A_136, %get3A_325, %get3A_326] : memref<2x128x256xf32, #tpu.memory_space<vmem>> -> memref<1x128x256xf32, #tpu.memory_space<vmem>>
        %get3A_328 = tpu.memref_squeeze %get3A_327 : memref<1x128x256xf32, #tpu.memory_space<vmem>> -> memref<128x256xf32, #tpu.memory_space<vmem>>
        %get3A_329 = arith.index_cast %scan3A_220 : i32 to index
        %get3A_330 = arith.constant 80 : index
        %get3A_331 = tpu.vector_load %get3A_328[%get3A_329, %get3A_330] {strides = array<i32>} : memref<128x256xf32, #tpu.memory_space<vmem>>, vector<1x16xf32>,
        %get3A_332 = vector.shape_cast %get3A_331 : vector<1x16xf32> to vector<16xf32>
        %add3A_333 = arith.addf %scan3A_226, %get3A_332 : vector<16xf32>
        %swap3A_334 = arith.constant 0 : i32
        %swap3A_335 = arith.constant 0 : i32
        %swap3A_336 = tpu.memref_slice %arg5[%scan3A_137, %swap3A_334, %swap3A_335] : memref<2x128x256xf32, #tpu.memory_space<vmem>> -> memref<1x128x256xf32, #tpu.memory_space<vmem>>
        %swap3A_337 = tpu.memref_squeeze %swap3A_336 : memref<1x128x256xf32, #tpu.memory_space<vmem>> -> memref<128x256xf32, #tpu.memory_space<vmem>>
        %swap3A_338 = arith.index_cast %scan3A_220 : i32 to index
        %swap3A_339 = arith.constant 80 : index
        %swap3A_340 = tpu.vector_load %swap3A_337[%swap3A_338, %swap3A_339] {strides = array<i32>} : memref<128x256xf32, #tpu.memory_space<vmem>>, vector<1x16xf32>,
        %swap3A_341 = vector.shape_cast %swap3A_340 : vector<1x16xf32> to vector<16xf32>
        %swap3A_342 = vector.shape_cast %add3A_333 : vector<16xf32> to vector<1x16xf32>
        tpu.vector_store %swap3A_337[%swap3A_338, %swap3A_339], %swap3A_342 {strides = array<i32>} : memref<128x256xf32, #tpu.memory_space<vmem>>, vector<1x16xf32>,
        %get3A_343 = arith.constant 0 : i32
        %get3A_344 = arith.constant 0 : i32
        %get3A_345 = tpu.memref_slice %arg4[%scan3A_136, %get3A_343, %get3A_344] : memref<2x128x256xf32, #tpu.memory_space<vmem>> -> memref<1x128x256xf32, #tpu.memory_space<vmem>>
        %get3A_346 = tpu.memref_squeeze %get3A_345 : memref<1x128x256xf32, #tpu.memory_space<vmem>> -> memref<128x256xf32, #tpu.memory_space<vmem>>
        %get3A_347 = arith.index_cast %scan3A_220 : i32 to index
        %get3A_348 = arith.constant 96 : index
        %get3A_349 = tpu.vector_load %get3A_346[%get3A_347, %get3A_348] {strides = array<i32>} : memref<128x256xf32, #tpu.memory_space<vmem>>, vector<1x16xf32>,
        %get3A_350 = vector.shape_cast %get3A_349 : vector<1x16xf32> to vector<16xf32>
        %add3A_351 = arith.addf %scan3A_227, %get3A_350 : vector<16xf32>
        %swap3A_352 = arith.constant 0 : i32
        %swap3A_353 = arith.constant 0 : i32
        %swap3A_354 = tpu.memref_slice %arg5[%scan3A_137, %swap3A_352, %swap3A_353] : memref<2x128x256xf32, #tpu.memory_space<vmem>> -> memref<1x128x256xf32, #tpu.memory_space<vmem>>
        %swap3A_355 = tpu.memref_squeeze %swap3A_354 : memref<1x128x256xf32, #tpu.memory_space<vmem>> -> memref<128x256xf32, #tpu.memory_space<vmem>>
        %swap3A_356 = arith.index_cast %scan3A_220 : i32 to index
        %swap3A_357 = arith.constant 96 : index
        %swap3A_358 = tpu.vector_load %swap3A_355[%swap3A_356, %swap3A_357] {strides = array<i32>} : memref<128x256xf32, #tpu.memory_space<vmem>>, vector<1x16xf32>,
        %swap3A_359 = vector.shape_cast %swap3A_358 : vector<1x16xf32> to vector<16xf32>
        %swap3A_360 = vector.shape_cast %add3A_351 : vector<16xf32> to vector<1x16xf32>
        tpu.vector_store %swap3A_355[%swap3A_356, %swap3A_357], %swap3A_360 {strides = array<i32>} : memref<128x256xf32, #tpu.memory_space<vmem>>, vector<1x16xf32>,
        %get3A_361 = arith.constant 0 : i32
        %get3A_362 = arith.constant 0 : i32
        %get3A_363 = tpu.memref_slice %arg4[%scan3A_136, %get3A_361, %get3A_362] : memref<2x128x256xf32, #tpu.memory_space<vmem>> -> memref<1x128x256xf32, #tpu.memory_space<vmem>>
        %get3A_364 = tpu.memref_squeeze %get3A_363 : memref<1x128x256xf32, #tpu.memory_space<vmem>> -> memref<128x256xf32, #tpu.memory_space<vmem>>
        %get3A_365 = arith.index_cast %scan3A_220 : i32 to index
        %get3A_366 = arith.constant 112 : index
        %get3A_367 = tpu.vector_load %get3A_364[%get3A_365, %get3A_366] {strides = array<i32>} : memref<128x256xf32, #tpu.memory_space<vmem>>, vector<1x16xf32>,
        %get3A_368 = vector.shape_cast %get3A_367 : vector<1x16xf32> to vector<16xf32>
        %add3A_369 = arith.addf %scan3A_228, %get3A_368 : vector<16xf32>
        %swap3A_370 = arith.constant 0 : i32
        %swap3A_371 = arith.constant 0 : i32
        %swap3A_372 = tpu.memref_slice %arg5[%scan3A_137, %swap3A_370, %swap3A_371] : memref<2x128x256xf32, #tpu.memory_space<vmem>> -> memref<1x128x256xf32, #tpu.memory_space<vmem>>
        %swap3A_373 = tpu.memref_squeeze %swap3A_372 : memref<1x128x256xf32, #tpu.memory_space<vmem>> -> memref<128x256xf32, #tpu.memory_space<vmem>>
        %swap3A_374 = arith.index_cast %scan3A_220 : i32 to index
        %swap3A_375 = arith.constant 112 : index
        %swap3A_376 = tpu.vector_load %swap3A_373[%swap3A_374, %swap3A_375] {strides = array<i32>} : memref<128x256xf32, #tpu.memory_space<vmem>>, vector<1x16xf32>,
        %swap3A_377 = vector.shape_cast %swap3A_376 : vector<1x16xf32> to vector<16xf32>
        %swap3A_378 = vector.shape_cast %add3A_369 : vector<16xf32> to vector<1x16xf32>
        tpu.vector_store %swap3A_373[%swap3A_374, %swap3A_375], %swap3A_378 {strides = array<i32>} : memref<128x256xf32, #tpu.memory_space<vmem>>, vector<1x16xf32>,
        %get3A_379 = arith.constant 0 : i32
        %get3A_380 = arith.constant 0 : i32
        %get3A_381 = tpu.memref_slice %arg4[%scan3A_136, %get3A_379, %get3A_380] : memref<2x128x256xf32, #tpu.memory_space<vmem>> -> memref<1x128x256xf32, #tpu.memory_space<vmem>>
        %get3A_382 = tpu.memref_squeeze %get3A_381 : memref<1x128x256xf32, #tpu.memory_space<vmem>> -> memref<128x256xf32, #tpu.memory_space<vmem>>
        %get3A_383 = arith.index_cast %scan3A_220 : i32 to index
        %get3A_384 = arith.constant 128 : index
        %get3A_385 = tpu.vector_load %get3A_382[%get3A_383, %get3A_384] {strides = array<i32>} : memref<128x256xf32, #tpu.memory_space<vmem>>, vector<1x16xf32>,
        %get3A_386 = vector.shape_cast %get3A_385 : vector<1x16xf32> to vector<16xf32>
        %add3A_387 = arith.addf %scan3A_229, %get3A_386 : vector<16xf32>
        %swap3A_388 = arith.constant 0 : i32
        %swap3A_389 = arith.constant 0 : i32
        %swap3A_390 = tpu.memref_slice %arg5[%scan3A_137, %swap3A_388, %swap3A_389] : memref<2x128x256xf32, #tpu.memory_space<vmem>> -> memref<1x128x256xf32, #tpu.memory_space<vmem>>
        %swap3A_391 = tpu.memref_squeeze %swap3A_390 : memref<1x128x256xf32, #tpu.memory_space<vmem>> -> memref<128x256xf32, #tpu.memory_space<vmem>>
        %swap3A_392 = arith.index_cast %scan3A_220 : i32 to index
        %swap3A_393 = arith.constant 128 : index
        %swap3A_394 = tpu.vector_load %swap3A_391[%swap3A_392, %swap3A_393] {strides = array<i32>} : memref<128x256xf32, #tpu.memory_space<vmem>>, vector<1x16xf32>,
        %swap3A_395 = vector.shape_cast %swap3A_394 : vector<1x16xf32> to vector<16xf32>
        %swap3A_396 = vector.shape_cast %add3A_387 : vector<16xf32> to vector<1x16xf32>
        tpu.vector_store %swap3A_391[%swap3A_392, %swap3A_393], %swap3A_396 {strides = array<i32>} : memref<128x256xf32, #tpu.memory_space<vmem>>, vector<1x16xf32>,
        %get3A_397 = arith.constant 0 : i32
        %get3A_398 = arith.constant 0 : i32
        %get3A_399 = tpu.memref_slice %arg4[%scan3A_136, %get3A_397, %get3A_398] : memref<2x128x256xf32, #tpu.memory_space<vmem>> -> memref<1x128x256xf32, #tpu.memory_space<vmem>>
        %get3A_400 = tpu.memref_squeeze %get3A_399 : memref<1x128x256xf32, #tpu.memory_space<vmem>> -> memref<128x256xf32, #tpu.memory_space<vmem>>
        %get3A_401 = arith.index_cast %scan3A_220 : i32 to index
        %get3A_402 = arith.constant 144 : index
        %get3A_403 = tpu.vector_load %get3A_400[%get3A_401, %get3A_402] {strides = array<i32>} : memref<128x256xf32, #tpu.memory_space<vmem>>, vector<1x16xf32>,
        %get3A_404 = vector.shape_cast %get3A_403 : vector<1x16xf32> to vector<16xf32>
        %add3A_405 = arith.addf %scan3A_230, %get3A_404 : vector<16xf32>
        %swap3A_406 = arith.constant 0 : i32
        %swap3A_407 = arith.constant 0 : i32
        %swap3A_408 = tpu.memref_slice %arg5[%scan3A_137, %swap3A_406, %swap3A_407] : memref<2x128x256xf32, #tpu.memory_space<vmem>> -> memref<1x128x256xf32, #tpu.memory_space<vmem>>
        %swap3A_409 = tpu.memref_squeeze %swap3A_408 : memref<1x128x256xf32, #tpu.memory_space<vmem>> -> memref<128x256xf32, #tpu.memory_space<vmem>>
        %swap3A_410 = arith.index_cast %scan3A_220 : i32 to index
        %swap3A_411 = arith.constant 144 : index
        %swap3A_412 = tpu.vector_load %swap3A_409[%swap3A_410, %swap3A_411] {strides = array<i32>} : memref<128x256xf32, #tpu.memory_space<vmem>>, vector<1x16xf32>,
        %swap3A_413 = vector.shape_cast %swap3A_412 : vector<1x16xf32> to vector<16xf32>
        %swap3A_414 = vector.shape_cast %add3A_405 : vector<16xf32> to vector<1x16xf32>
        tpu.vector_store %swap3A_409[%swap3A_410, %swap3A_411], %swap3A_414 {strides = array<i32>} : memref<128x256xf32, #tpu.memory_space<vmem>>, vector<1x16xf32>,
        %get3A_415 = arith.constant 0 : i32
        %get3A_416 = arith.constant 0 : i32
        %get3A_417 = tpu.memref_slice %arg4[%scan3A_136, %get3A_415, %get3A_416] : memref<2x128x256xf32, #tpu.memory_space<vmem>> -> memref<1x128x256xf32, #tpu.memory_space<vmem>>
        %get3A_418 = tpu.memref_squeeze %get3A_417 : memref<1x128x256xf32, #tpu.memory_space<vmem>> -> memref<128x256xf32, #tpu.memory_space<vmem>>
        %get3A_419 = arith.index_cast %scan3A_220 : i32 to index
        %get3A_420 = arith.constant 160 : index
        %get3A_421 = tpu.vector_load %get3A_418[%get3A_419, %get3A_420] {strides = array<i32>} : memref<128x256xf32, #tpu.memory_space<vmem>>, vector<1x16xf32>,
        %get3A_422 = vector.shape_cast %get3A_421 : vector<1x16xf32> to vector<16xf32>
        %add3A_423 = arith.addf %scan3A_231, %get3A_422 : vector<16xf32>
        %swap3A_424 = arith.constant 0 : i32
        %swap3A_425 = arith.constant 0 : i32
        %swap3A_426 = tpu.memref_slice %arg5[%scan3A_137, %swap3A_424, %swap3A_425] : memref<2x128x256xf32, #tpu.memory_space<vmem>> -> memref<1x128x256xf32, #tpu.memory_space<vmem>>
        %swap3A_427 = tpu.memref_squeeze %swap3A_426 : memref<1x128x256xf32, #tpu.memory_space<vmem>> -> memref<128x256xf32, #tpu.memory_space<vmem>>
        %swap3A_428 = arith.index_cast %scan3A_220 : i32 to index
        %swap3A_429 = arith.constant 160 : index
        %swap3A_430 = tpu.vector_load %swap3A_427[%swap3A_428, %swap3A_429] {strides = array<i32>} : memref<128x256xf32, #tpu.memory_space<vmem>>, vector<1x16xf32>,
        %swap3A_431 = vector.shape_cast %swap3A_430 : vector<1x16xf32> to vector<16xf32>
        %swap3A_432 = vector.shape_cast %add3A_423 : vector<16xf32> to vector<1x16xf32>
        tpu.vector_store %swap3A_427[%swap3A_428, %swap3A_429], %swap3A_432 {strides = array<i32>} : memref<128x256xf32, #tpu.memory_space<vmem>>, vector<1x16xf32>,
        %get3A_433 = arith.constant 0 : i32
        %get3A_434 = arith.constant 0 : i32
        %get3A_435 = tpu.memref_slice %arg4[%scan3A_136, %get3A_433, %get3A_434] : memref<2x128x256xf32, #tpu.memory_space<vmem>> -> memref<1x128x256xf32, #tpu.memory_space<vmem>>
        %get3A_436 = tpu.memref_squeeze %get3A_435 : memref<1x128x256xf32, #tpu.memory_space<vmem>> -> memref<128x256xf32, #tpu.memory_space<vmem>>
        %get3A_437 = arith.index_cast %scan3A_220 : i32 to index
        %get3A_438 = arith.constant 176 : index
        %get3A_439 = tpu.vector_load %get3A_436[%get3A_437, %get3A_438] {strides = array<i32>} : memref<128x256xf32, #tpu.memory_space<vmem>>, vector<1x16xf32>,
        %get3A_440 = vector.shape_cast %get3A_439 : vector<1x16xf32> to vector<16xf32>
        %add3A_441 = arith.addf %scan3A_232, %get3A_440 : vector<16xf32>
        %swap3A_442 = arith.constant 0 : i32
        %swap3A_443 = arith.constant 0 : i32
        %swap3A_444 = tpu.memref_slice %arg5[%scan3A_137, %swap3A_442, %swap3A_443] : memref<2x128x256xf32, #tpu.memory_space<vmem>> -> memref<1x128x256xf32, #tpu.memory_space<vmem>>
        %swap3A_445 = tpu.memref_squeeze %swap3A_444 : memref<1x128x256xf32, #tpu.memory_space<vmem>> -> memref<128x256xf32, #tpu.memory_space<vmem>>
        %swap3A_446 = arith.index_cast %scan3A_220 : i32 to index
        %swap3A_447 = arith.constant 176 : index
        %swap3A_448 = tpu.vector_load %swap3A_445[%swap3A_446, %swap3A_447] {strides = array<i32>} : memref<128x256xf32, #tpu.memory_space<vmem>>, vector<1x16xf32>,
        %swap3A_449 = vector.shape_cast %swap3A_448 : vector<1x16xf32> to vector<16xf32>
        %swap3A_450 = vector.shape_cast %add3A_441 : vector<16xf32> to vector<1x16xf32>
        tpu.vector_store %swap3A_445[%swap3A_446, %swap3A_447], %swap3A_450 {strides = array<i32>} : memref<128x256xf32, #tpu.memory_space<vmem>>, vector<1x16xf32>,
        %get3A_451 = arith.constant 0 : i32
        %get3A_452 = arith.constant 0 : i32
        %get3A_453 = tpu.memref_slice %arg4[%scan3A_136, %get3A_451, %get3A_452] : memref<2x128x256xf32, #tpu.memory_space<vmem>> -> memref<1x128x256xf32, #tpu.memory_space<vmem>>
        %get3A_454 = tpu.memref_squeeze %get3A_453 : memref<1x128x256xf32, #tpu.memory_space<vmem>> -> memref<128x256xf32, #tpu.memory_space<vmem>>
        %get3A_455 = arith.index_cast %scan3A_220 : i32 to index
        %get3A_456 = arith.constant 192 : index
        %get3A_457 = tpu.vector_load %get3A_454[%get3A_455, %get3A_456] {strides = array<i32>} : memref<128x256xf32, #tpu.memory_space<vmem>>, vector<1x16xf32>,
        %get3A_458 = vector.shape_cast %get3A_457 : vector<1x16xf32> to vector<16xf32>
        %add3A_459 = arith.addf %scan3A_233, %get3A_458 : vector<16xf32>
        %swap3A_460 = arith.constant 0 : i32
        %swap3A_461 = arith.constant 0 : i32
        %swap3A_462 = tpu.memref_slice %arg5[%scan3A_137, %swap3A_460, %swap3A_461] : memref<2x128x256xf32, #tpu.memory_space<vmem>> -> memref<1x128x256xf32, #tpu.memory_space<vmem>>
        %swap3A_463 = tpu.memref_squeeze %swap3A_462 : memref<1x128x256xf32, #tpu.memory_space<vmem>> -> memref<128x256xf32, #tpu.memory_space<vmem>>
        %swap3A_464 = arith.index_cast %scan3A_220 : i32 to index
        %swap3A_465 = arith.constant 192 : index
        %swap3A_466 = tpu.vector_load %swap3A_463[%swap3A_464, %swap3A_465] {strides = array<i32>} : memref<128x256xf32, #tpu.memory_space<vmem>>, vector<1x16xf32>,
        %swap3A_467 = vector.shape_cast %swap3A_466 : vector<1x16xf32> to vector<16xf32>
        %swap3A_468 = vector.shape_cast %add3A_459 : vector<16xf32> to vector<1x16xf32>
        tpu.vector_store %swap3A_463[%swap3A_464, %swap3A_465], %swap3A_468 {strides = array<i32>} : memref<128x256xf32, #tpu.memory_space<vmem>>, vector<1x16xf32>,
        %get3A_469 = arith.constant 0 : i32
        %get3A_470 = arith.constant 0 : i32
        %get3A_471 = tpu.memref_slice %arg4[%scan3A_136, %get3A_469, %get3A_470] : memref<2x128x256xf32, #tpu.memory_space<vmem>> -> memref<1x128x256xf32, #tpu.memory_space<vmem>>
        %get3A_472 = tpu.memref_squeeze %get3A_471 : memref<1x128x256xf32, #tpu.memory_space<vmem>> -> memref<128x256xf32, #tpu.memory_space<vmem>>
        %get3A_473 = arith.index_cast %scan3A_220 : i32 to index
        %get3A_474 = arith.constant 208 : index
        %get3A_475 = tpu.vector_load %get3A_472[%get3A_473, %get3A_474] {strides = array<i32>} : memref<128x256xf32, #tpu.memory_space<vmem>>, vector<1x16xf32>,
        %get3A_476 = vector.shape_cast %get3A_475 : vector<1x16xf32> to vector<16xf32>
        %add3A_477 = arith.addf %scan3A_234, %get3A_476 : vector<16xf32>
        %swap3A_478 = arith.constant 0 : i32
        %swap3A_479 = arith.constant 0 : i32
        %swap3A_480 = tpu.memref_slice %arg5[%scan3A_137, %swap3A_478, %swap3A_479] : memref<2x128x256xf32, #tpu.memory_space<vmem>> -> memref<1x128x256xf32, #tpu.memory_space<vmem>>
        %swap3A_481 = tpu.memref_squeeze %swap3A_480 : memref<1x128x256xf32, #tpu.memory_space<vmem>> -> memref<128x256xf32, #tpu.memory_space<vmem>>
        %swap3A_482 = arith.index_cast %scan3A_220 : i32 to index
        %swap3A_483 = arith.constant 208 : index
        %swap3A_484 = tpu.vector_load %swap3A_481[%swap3A_482, %swap3A_483] {strides = array<i32>} : memref<128x256xf32, #tpu.memory_space<vmem>>, vector<1x16xf32>,
        %swap3A_485 = vector.shape_cast %swap3A_484 : vector<1x16xf32> to vector<16xf32>
        %swap3A_486 = vector.shape_cast %add3A_477 : vector<16xf32> to vector<1x16xf32>
        tpu.vector_store %swap3A_481[%swap3A_482, %swap3A_483], %swap3A_486 {strides = array<i32>} : memref<128x256xf32, #tpu.memory_space<vmem>>, vector<1x16xf32>,
        %get3A_487 = arith.constant 0 : i32
        %get3A_488 = arith.constant 0 : i32
        %get3A_489 = tpu.memref_slice %arg4[%scan3A_136, %get3A_487, %get3A_488] : memref<2x128x256xf32, #tpu.memory_space<vmem>> -> memref<1x128x256xf32, #tpu.memory_space<vmem>>
        %get3A_490 = tpu.memref_squeeze %get3A_489 : memref<1x128x256xf32, #tpu.memory_space<vmem>> -> memref<128x256xf32, #tpu.memory_space<vmem>>
        %get3A_491 = arith.index_cast %scan3A_220 : i32 to index
        %get3A_492 = arith.constant 224 : index
        %get3A_493 = tpu.vector_load %get3A_490[%get3A_491, %get3A_492] {strides = array<i32>} : memref<128x256xf32, #tpu.memory_space<vmem>>, vector<1x16xf32>,
        %get3A_494 = vector.shape_cast %get3A_493 : vector<1x16xf32> to vector<16xf32>
        %add3A_495 = arith.addf %scan3A_235, %get3A_494 : vector<16xf32>
        %swap3A_496 = arith.constant 0 : i32
        %swap3A_497 = arith.constant 0 : i32
        %swap3A_498 = tpu.memref_slice %arg5[%scan3A_137, %swap3A_496, %swap3A_497] : memref<2x128x256xf32, #tpu.memory_space<vmem>> -> memref<1x128x256xf32, #tpu.memory_space<vmem>>
        %swap3A_499 = tpu.memref_squeeze %swap3A_498 : memref<1x128x256xf32, #tpu.memory_space<vmem>> -> memref<128x256xf32, #tpu.memory_space<vmem>>
        %swap3A_500 = arith.index_cast %scan3A_220 : i32 to index
        %swap3A_501 = arith.constant 224 : index
        %swap3A_502 = tpu.vector_load %swap3A_499[%swap3A_500, %swap3A_501] {strides = array<i32>} : memref<128x256xf32, #tpu.memory_space<vmem>>, vector<1x16xf32>,
        %swap3A_503 = vector.shape_cast %swap3A_502 : vector<1x16xf32> to vector<16xf32>
        %swap3A_504 = vector.shape_cast %add3A_495 : vector<16xf32> to vector<1x16xf32>
        tpu.vector_store %swap3A_499[%swap3A_500, %swap3A_501], %swap3A_504 {strides = array<i32>} : memref<128x256xf32, #tpu.memory_space<vmem>>, vector<1x16xf32>,
        %get3A_505 = arith.constant 0 : i32
        %get3A_506 = arith.constant 0 : i32
        %get3A_507 = tpu.memref_slice %arg4[%scan3A_136, %get3A_505, %get3A_506] : memref<2x128x256xf32, #tpu.memory_space<vmem>> -> memref<1x128x256xf32, #tpu.memory_space<vmem>>
        %get3A_508 = tpu.memref_squeeze %get3A_507 : memref<1x128x256xf32, #tpu.memory_space<vmem>> -> memref<128x256xf32, #tpu.memory_space<vmem>>
        %get3A_509 = arith.index_cast %scan3A_220 : i32 to index
        %get3A_510 = arith.constant 240 : index
        %get3A_511 = tpu.vector_load %get3A_508[%get3A_509, %get3A_510] {strides = array<i32>} : memref<128x256xf32, #tpu.memory_space<vmem>>, vector<1x16xf32>,
        %get3A_512 = vector.shape_cast %get3A_511 : vector<1x16xf32> to vector<16xf32>
        %add3A_513 = arith.addf %scan3A_236, %get3A_512 : vector<16xf32>
        %swap3A_514 = arith.constant 0 : i32
        %swap3A_515 = arith.constant 0 : i32
        %swap3A_516 = tpu.memref_slice %arg5[%scan3A_137, %swap3A_514, %swap3A_515] : memref<2x128x256xf32, #tpu.memory_space<vmem>> -> memref<1x128x256xf32, #tpu.memory_space<vmem>>
        %swap3A_517 = tpu.memref_squeeze %swap3A_516 : memref<1x128x256xf32, #tpu.memory_space<vmem>> -> memref<128x256xf32, #tpu.memory_space<vmem>>
        %swap3A_518 = arith.index_cast %scan3A_220 : i32 to index
        %swap3A_519 = arith.constant 240 : index
        %swap3A_520 = tpu.vector_load %swap3A_517[%swap3A_518, %swap3A_519] {strides = array<i32>} : memref<128x256xf32, #tpu.memory_space<vmem>>, vector<1x16xf32>,
        %swap3A_521 = vector.shape_cast %swap3A_520 : vector<1x16xf32> to vector<16xf32>
        %swap3A_522 = vector.shape_cast %add3A_513 : vector<16xf32> to vector<1x16xf32>
        tpu.vector_store %swap3A_517[%swap3A_518, %swap3A_519], %swap3A_522 {strides = array<i32>} : memref<128x256xf32, #tpu.memory_space<vmem>>, vector<1x16xf32>,
        %scan3A_523 = arith.constant 1 : i32
        %scan3A_524 = arith.addi %scan3A_220, %scan3A_523 : i32
        %get3A_525 = arith.constant 0 : i32
        %get3A_526 = arith.constant 0 : i32
        %get3A_527 = tpu.memref_slice %arg4[%scan3A_136, %get3A_525, %get3A_526] : memref<2x128x256xf32, #tpu.memory_space<vmem>> -> memref<1x128x256xf32, #tpu.memory_space<vmem>>
        %get3A_528 = tpu.memref_squeeze %get3A_527 : memref<1x128x256xf32, #tpu.memory_space<vmem>> -> memref<128x256xf32, #tpu.memory_space<vmem>>
        %get3A_529 = arith.index_cast %scan3A_524 : i32 to index
        %get3A_530 = arith.constant 0 : index
        %get3A_531 = tpu.vector_load %get3A_528[%get3A_529, %get3A_530] {strides = array<i32>} : memref<128x256xf32, #tpu.memory_space<vmem>>, vector<1x16xf32>,
        %get3A_532 = vector.shape_cast %get3A_531 : vector<1x16xf32> to vector<16xf32>
        %add3A_533 = arith.addf %add3A_244, %get3A_532 : vector<16xf32>
        %swap3A_534 = arith.constant 0 : i32
        %swap3A_535 = arith.constant 0 : i32
        %swap3A_536 = tpu.memref_slice %arg5[%scan3A_137, %swap3A_534, %swap3A_535] : memref<2x128x256xf32, #tpu.memory_space<vmem>> -> memref<1x128x256xf32, #tpu.memory_space<vmem>>
        %swap3A_537 = tpu.memref_squeeze %swap3A_536 : memref<1x128x256xf32, #tpu.memory_space<vmem>> -> memref<128x256xf32, #tpu.memory_space<vmem>>
        %swap3A_538 = arith.index_cast %scan3A_524 : i32 to index
        %swap3A_539 = arith.constant 0 : index
        %swap3A_540 = tpu.vector_load %swap3A_537[%swap3A_538, %swap3A_539] {strides = array<i32>} : memref<128x256xf32, #tpu.memory_space<vmem>>, vector<1x16xf32>,
        %swap3A_541 = vector.shape_cast %swap3A_540 : vector<1x16xf32> to vector<16xf32>
        %swap3A_542 = vector.shape_cast %add3A_533 : vector<16xf32> to vector<1x16xf32>
        tpu.vector_store %swap3A_537[%swap3A_538, %swap3A_539], %swap3A_542 {strides = array<i32>} : memref<128x256xf32, #tpu.memory_space<vmem>>, vector<1x16xf32>,
        %get3A_543 = arith.constant 0 : i32
        %get3A_544 = arith.constant 0 : i32
        %get3A_545 = tpu.memref_slice %arg4[%scan3A_136, %get3A_543, %get3A_544] : memref<2x128x256xf32, #tpu.memory_space<vmem>> -> memref<1x128x256xf32, #tpu.memory_space<vmem>>
        %get3A_546 = tpu.memref_squeeze %get3A_545 : memref<1x128x256xf32, #tpu.memory_space<vmem>> -> memref<128x256xf32, #tpu.memory_space<vmem>>
        %get3A_547 = arith.index_cast %scan3A_524 : i32 to index
        %get3A_548 = arith.constant 16 : index
        %get3A_549 = tpu.vector_load %get3A_546[%get3A_547, %get3A_548] {strides = array<i32>} : memref<128x256xf32, #tpu.memory_space<vmem>>, vector<1x16xf32>,
        %get3A_550 = vector.shape_cast %get3A_549 : vector<1x16xf32> to vector<16xf32>
        %add3A_551 = arith.addf %add3A_261, %get3A_550 : vector<16xf32>
        %swap3A_552 = arith.constant 0 : i32
        %swap3A_553 = arith.constant 0 : i32
        %swap3A_554 = tpu.memref_slice %arg5[%scan3A_137, %swap3A_552, %swap3A_553] : memref<2x128x256xf32, #tpu.memory_space<vmem>> -> memref<1x128x256xf32, #tpu.memory_space<vmem>>
        %swap3A_555 = tpu.memref_squeeze %swap3A_554 : memref<1x128x256xf32, #tpu.memory_space<vmem>> -> memref<128x256xf32, #tpu.memory_space<vmem>>
        %swap3A_556 = arith.index_cast %scan3A_524 : i32 to index
        %swap3A_557 = arith.constant 16 : index
        %swap3A_558 = tpu.vector_load %swap3A_555[%swap3A_556, %swap3A_557] {strides = array<i32>} : memref<128x256xf32, #tpu.memory_space<vmem>>, vector<1x16xf32>,
        %swap3A_559 = vector.shape_cast %swap3A_558 : vector<1x16xf32> to vector<16xf32>
        %swap3A_560 = vector.shape_cast %add3A_551 : vector<16xf32> to vector<1x16xf32>
        tpu.vector_store %swap3A_555[%swap3A_556, %swap3A_557], %swap3A_560 {strides = array<i32>} : memref<128x256xf32, #tpu.memory_space<vmem>>, vector<1x16xf32>,
        %get3A_561 = arith.constant 0 : i32
        %get3A_562 = arith.constant 0 : i32
        %get3A_563 = tpu.memref_slice %arg4[%scan3A_136, %get3A_561, %get3A_562] : memref<2x128x256xf32, #tpu.memory_space<vmem>> -> memref<1x128x256xf32, #tpu.memory_space<vmem>>
        %get3A_564 = tpu.memref_squeeze %get3A_563 : memref<1x128x256xf32, #tpu.memory_space<vmem>> -> memref<128x256xf32, #tpu.memory_space<vmem>>
        %get3A_565 = arith.index_cast %scan3A_524 : i32 to index
        %get3A_566 = arith.constant 32 : index
        %get3A_567 = tpu.vector_load %get3A_564[%get3A_565, %get3A_566] {strides = array<i32>} : memref<128x256xf32, #tpu.memory_space<vmem>>, vector<1x16xf32>,
        %get3A_568 = vector.shape_cast %get3A_567 : vector<1x16xf32> to vector<16xf32>
        %add3A_569 = arith.addf %add3A_279, %get3A_568 : vector<16xf32>
        %swap3A_570 = arith.constant 0 : i32
        %swap3A_571 = arith.constant 0 : i32
        %swap3A_572 = tpu.memref_slice %arg5[%scan3A_137, %swap3A_570, %swap3A_571] : memref<2x128x256xf32, #tpu.memory_space<vmem>> -> memref<1x128x256xf32, #tpu.memory_space<vmem>>
        %swap3A_573 = tpu.memref_squeeze %swap3A_572 : memref<1x128x256xf32, #tpu.memory_space<vmem>> -> memref<128x256xf32, #tpu.memory_space<vmem>>
        %swap3A_574 = arith.index_cast %scan3A_524 : i32 to index
        %swap3A_575 = arith.constant 32 : index
        %swap3A_576 = tpu.vector_load %swap3A_573[%swap3A_574, %swap3A_575] {strides = array<i32>} : memref<128x256xf32, #tpu.memory_space<vmem>>, vector<1x16xf32>,
        %swap3A_577 = vector.shape_cast %swap3A_576 : vector<1x16xf32> to vector<16xf32>
        %swap3A_578 = vector.shape_cast %add3A_569 : vector<16xf32> to vector<1x16xf32>
        tpu.vector_store %swap3A_573[%swap3A_574, %swap3A_575], %swap3A_578 {strides = array<i32>} : memref<128x256xf32, #tpu.memory_space<vmem>>, vector<1x16xf32>,
        %get3A_579 = arith.constant 0 : i32
        %get3A_580 = arith.constant 0 : i32
        %get3A_581 = tpu.memref_slice %arg4[%scan3A_136, %get3A_579, %get3A_580] : memref<2x128x256xf32, #tpu.memory_space<vmem>> -> memref<1x128x256xf32, #tpu.memory_space<vmem>>
        %get3A_582 = tpu.memref_squeeze %get3A_581 : memref<1x128x256xf32, #tpu.memory_space<vmem>> -> memref<128x256xf32, #tpu.memory_space<vmem>>
        %get3A_583 = arith.index_cast %scan3A_524 : i32 to index
        %get3A_584 = arith.constant 48 : index
        %get3A_585 = tpu.vector_load %get3A_582[%get3A_583, %get3A_584] {strides = array<i32>} : memref<128x256xf32, #tpu.memory_space<vmem>>, vector<1x16xf32>,
        %get3A_586 = vector.shape_cast %get3A_585 : vector<1x16xf32> to vector<16xf32>
        %add3A_587 = arith.addf %add3A_297, %get3A_586 : vector<16xf32>
        %swap3A_588 = arith.constant 0 : i32
        %swap3A_589 = arith.constant 0 : i32
        %swap3A_590 = tpu.memref_slice %arg5[%scan3A_137, %swap3A_588, %swap3A_589] : memref<2x128x256xf32, #tpu.memory_space<vmem>> -> memref<1x128x256xf32, #tpu.memory_space<vmem>>
        %swap3A_591 = tpu.memref_squeeze %swap3A_590 : memref<1x128x256xf32, #tpu.memory_space<vmem>> -> memref<128x256xf32, #tpu.memory_space<vmem>>
        %swap3A_592 = arith.index_cast %scan3A_524 : i32 to index
        %swap3A_593 = arith.constant 48 : index
        %swap3A_594 = tpu.vector_load %swap3A_591[%swap3A_592, %swap3A_593] {strides = array<i32>} : memref<128x256xf32, #tpu.memory_space<vmem>>, vector<1x16xf32>,
        %swap3A_595 = vector.shape_cast %swap3A_594 : vector<1x16xf32> to vector<16xf32>
        %swap3A_596 = vector.shape_cast %add3A_587 : vector<16xf32> to vector<1x16xf32>
        tpu.vector_store %swap3A_591[%swap3A_592, %swap3A_593], %swap3A_596 {strides = array<i32>} : memref<128x256xf32, #tpu.memory_space<vmem>>, vector<1x16xf32>,
        %get3A_597 = arith.constant 0 : i32
        %get3A_598 = arith.constant 0 : i32
        %get3A_599 = tpu.memref_slice %arg4[%scan3A_136, %get3A_597, %get3A_598] : memref<2x128x256xf32, #tpu.memory_space<vmem>> -> memref<1x128x256xf32, #tpu.memory_space<vmem>>
        %get3A_600 = tpu.memref_squeeze %get3A_599 : memref<1x128x256xf32, #tpu.memory_space<vmem>> -> memref<128x256xf32, #tpu.memory_space<vmem>>
        %get3A_601 = arith.index_cast %scan3A_524 : i32 to index
        %get3A_602 = arith.constant 64 : index
        %get3A_603 = tpu.vector_load %get3A_600[%get3A_601, %get3A_602] {strides = array<i32>} : memref<128x256xf32, #tpu.memory_space<vmem>>, vector<1x16xf32>,
        %get3A_604 = vector.shape_cast %get3A_603 : vector<1x16xf32> to vector<16xf32>
        %add3A_605 = arith.addf %add3A_315, %get3A_604 : vector<16xf32>
        %swap3A_606 = arith.constant 0 : i32
        %swap3A_607 = arith.constant 0 : i32
        %swap3A_608 = tpu.memref_slice %arg5[%scan3A_137, %swap3A_606, %swap3A_607] : memref<2x128x256xf32, #tpu.memory_space<vmem>> -> memref<1x128x256xf32, #tpu.memory_space<vmem>>
        %swap3A_609 = tpu.memref_squeeze %swap3A_608 : memref<1x128x256xf32, #tpu.memory_space<vmem>> -> memref<128x256xf32, #tpu.memory_space<vmem>>
        %swap3A_610 = arith.index_cast %scan3A_524 : i32 to index
        %swap3A_611 = arith.constant 64 : index
        %swap3A_612 = tpu.vector_load %swap3A_609[%swap3A_610, %swap3A_611] {strides = array<i32>} : memref<128x256xf32, #tpu.memory_space<vmem>>, vector<1x16xf32>,
        %swap3A_613 = vector.shape_cast %swap3A_612 : vector<1x16xf32> to vector<16xf32>
        %swap3A_614 = vector.shape_cast %add3A_605 : vector<16xf32> to vector<1x16xf32>
        tpu.vector_store %swap3A_609[%swap3A_610, %swap3A_611], %swap3A_614 {strides = array<i32>} : memref<128x256xf32, #tpu.memory_space<vmem>>, vector<1x16xf32>,
        %get3A_615 = arith.constant 0 : i32
        %get3A_616 = arith.constant 0 : i32
        %get3A_617 = tpu.memref_slice %arg4[%scan3A_136, %get3A_615, %get3A_616] : memref<2x128x256xf32, #tpu.memory_space<vmem>> -> memref<1x128x256xf32, #tpu.memory_space<vmem>>
        %get3A_618 = tpu.memref_squeeze %get3A_617 : memref<1x128x256xf32, #tpu.memory_space<vmem>> -> memref<128x256xf32, #tpu.memory_space<vmem>>
        %get3A_619 = arith.index_cast %scan3A_524 : i32 to index
        %get3A_620 = arith.constant 80 : index
        %get3A_621 = tpu.vector_load %get3A_618[%get3A_619, %get3A_620] {strides = array<i32>} : memref<128x256xf32, #tpu.memory_space<vmem>>, vector<1x16xf32>,
        %get3A_622 = vector.shape_cast %get3A_621 : vector<1x16xf32> to vector<16xf32>
        %add3A_623 = arith.addf %add3A_333, %get3A_622 : vector<16xf32>
        %swap3A_624 = arith.constant 0 : i32
        %swap3A_625 = arith.constant 0 : i32
        %swap3A_626 = tpu.memref_slice %arg5[%scan3A_137, %swap3A_624, %swap3A_625] : memref<2x128x256xf32, #tpu.memory_space<vmem>> -> memref<1x128x256xf32, #tpu.memory_space<vmem>>
        %swap3A_627 = tpu.memref_squeeze %swap3A_626 : memref<1x128x256xf32, #tpu.memory_space<vmem>> -> memref<128x256xf32, #tpu.memory_space<vmem>>
        %swap3A_628 = arith.index_cast %scan3A_524 : i32 to index
        %swap3A_629 = arith.constant 80 : index
        %swap3A_630 = tpu.vector_load %swap3A_627[%swap3A_628, %swap3A_629] {strides = array<i32>} : memref<128x256xf32, #tpu.memory_space<vmem>>, vector<1x16xf32>,
        %swap3A_631 = vector.shape_cast %swap3A_630 : vector<1x16xf32> to vector<16xf32>
        %swap3A_632 = vector.shape_cast %add3A_623 : vector<16xf32> to vector<1x16xf32>
        tpu.vector_store %swap3A_627[%swap3A_628, %swap3A_629], %swap3A_632 {strides = array<i32>} : memref<128x256xf32, #tpu.memory_space<vmem>>, vector<1x16xf32>,
        %get3A_633 = arith.constant 0 : i32
        %get3A_634 = arith.constant 0 : i32
        %get3A_635 = tpu.memref_slice %arg4[%scan3A_136, %get3A_633, %get3A_634] : memref<2x128x256xf32, #tpu.memory_space<vmem>> -> memref<1x128x256xf32, #tpu.memory_space<vmem>>
        %get3A_636 = tpu.memref_squeeze %get3A_635 : memref<1x128x256xf32, #tpu.memory_space<vmem>> -> memref<128x256xf32, #tpu.memory_space<vmem>>
        %get3A_637 = arith.index_cast %scan3A_524 : i32 to index
        %get3A_638 = arith.constant 96 : index
        %get3A_639 = tpu.vector_load %get3A_636[%get3A_637, %get3A_638] {strides = array<i32>} : memref<128x256xf32, #tpu.memory_space<vmem>>, vector<1x16xf32>,
        %get3A_640 = vector.shape_cast %get3A_639 : vector<1x16xf32> to vector<16xf32>
        %add3A_641 = arith.addf %add3A_351, %get3A_640 : vector<16xf32>
        %swap3A_642 = arith.constant 0 : i32
        %swap3A_643 = arith.constant 0 : i32
        %swap3A_644 = tpu.memref_slice %arg5[%scan3A_137, %swap3A_642, %swap3A_643] : memref<2x128x256xf32, #tpu.memory_space<vmem>> -> memref<1x128x256xf32, #tpu.memory_space<vmem>>
        %swap3A_645 = tpu.memref_squeeze %swap3A_644 : memref<1x128x256xf32, #tpu.memory_space<vmem>> -> memref<128x256xf32, #tpu.memory_space<vmem>>
        %swap3A_646 = arith.index_cast %scan3A_524 : i32 to index
        %swap3A_647 = arith.constant 96 : index
        %swap3A_648 = tpu.vector_load %swap3A_645[%swap3A_646, %swap3A_647] {strides = array<i32>} : memref<128x256xf32, #tpu.memory_space<vmem>>, vector<1x16xf32>,
        %swap3A_649 = vector.shape_cast %swap3A_648 : vector<1x16xf32> to vector<16xf32>
        %swap3A_650 = vector.shape_cast %add3A_641 : vector<16xf32> to vector<1x16xf32>
        tpu.vector_store %swap3A_645[%swap3A_646, %swap3A_647], %swap3A_650 {strides = array<i32>} : memref<128x256xf32, #tpu.memory_space<vmem>>, vector<1x16xf32>,
        %get3A_651 = arith.constant 0 : i32
        %get3A_652 = arith.constant 0 : i32
        %get3A_653 = tpu.memref_slice %arg4[%scan3A_136, %get3A_651, %get3A_652] : memref<2x128x256xf32, #tpu.memory_space<vmem>> -> memref<1x128x256xf32, #tpu.memory_space<vmem>>
        %get3A_654 = tpu.memref_squeeze %get3A_653 : memref<1x128x256xf32, #tpu.memory_space<vmem>> -> memref<128x256xf32, #tpu.memory_space<vmem>>
        %get3A_655 = arith.index_cast %scan3A_524 : i32 to index
        %get3A_656 = arith.constant 112 : index
        %get3A_657 = tpu.vector_load %get3A_654[%get3A_655, %get3A_656] {strides = array<i32>} : memref<128x256xf32, #tpu.memory_space<vmem>>, vector<1x16xf32>,
        %get3A_658 = vector.shape_cast %get3A_657 : vector<1x16xf32> to vector<16xf32>
        %add3A_659 = arith.addf %add3A_369, %get3A_658 : vector<16xf32>
        %swap3A_660 = arith.constant 0 : i32
        %swap3A_661 = arith.constant 0 : i32
        %swap3A_662 = tpu.memref_slice %arg5[%scan3A_137, %swap3A_660, %swap3A_661] : memref<2x128x256xf32, #tpu.memory_space<vmem>> -> memref<1x128x256xf32, #tpu.memory_space<vmem>>
        %swap3A_663 = tpu.memref_squeeze %swap3A_662 : memref<1x128x256xf32, #tpu.memory_space<vmem>> -> memref<128x256xf32, #tpu.memory_space<vmem>>
        %swap3A_664 = arith.index_cast %scan3A_524 : i32 to index
        %swap3A_665 = arith.constant 112 : index
        %swap3A_666 = tpu.vector_load %swap3A_663[%swap3A_664, %swap3A_665] {strides = array<i32>} : memref<128x256xf32, #tpu.memory_space<vmem>>, vector<1x16xf32>,
        %swap3A_667 = vector.shape_cast %swap3A_666 : vector<1x16xf32> to vector<16xf32>
        %swap3A_668 = vector.shape_cast %add3A_659 : vector<16xf32> to vector<1x16xf32>
        tpu.vector_store %swap3A_663[%swap3A_664, %swap3A_665], %swap3A_668 {strides = array<i32>} : memref<128x256xf32, #tpu.memory_space<vmem>>, vector<1x16xf32>,
        %get3A_669 = arith.constant 0 : i32
        %get3A_670 = arith.constant 0 : i32
        %get3A_671 = tpu.memref_slice %arg4[%scan3A_136, %get3A_669, %get3A_670] : memref<2x128x256xf32, #tpu.memory_space<vmem>> -> memref<1x128x256xf32, #tpu.memory_space<vmem>>
        %get3A_672 = tpu.memref_squeeze %get3A_671 : memref<1x128x256xf32, #tpu.memory_space<vmem>> -> memref<128x256xf32, #tpu.memory_space<vmem>>
        %get3A_673 = arith.index_cast %scan3A_524 : i32 to index
        %get3A_674 = arith.constant 128 : index
        %get3A_675 = tpu.vector_load %get3A_672[%get3A_673, %get3A_674] {strides = array<i32>} : memref<128x256xf32, #tpu.memory_space<vmem>>, vector<1x16xf32>,
        %get3A_676 = vector.shape_cast %get3A_675 : vector<1x16xf32> to vector<16xf32>
        %add3A_677 = arith.addf %add3A_387, %get3A_676 : vector<16xf32>
        %swap3A_678 = arith.constant 0 : i32
        %swap3A_679 = arith.constant 0 : i32
        %swap3A_680 = tpu.memref_slice %arg5[%scan3A_137, %swap3A_678, %swap3A_679] : memref<2x128x256xf32, #tpu.memory_space<vmem>> -> memref<1x128x256xf32, #tpu.memory_space<vmem>>
        %swap3A_681 = tpu.memref_squeeze %swap3A_680 : memref<1x128x256xf32, #tpu.memory_space<vmem>> -> memref<128x256xf32, #tpu.memory_space<vmem>>
        %swap3A_682 = arith.index_cast %scan3A_524 : i32 to index
        %swap3A_683 = arith.constant 128 : index
        %swap3A_684 = tpu.vector_load %swap3A_681[%swap3A_682, %swap3A_683] {strides = array<i32>} : memref<128x256xf32, #tpu.memory_space<vmem>>, vector<1x16xf32>,
        %swap3A_685 = vector.shape_cast %swap3A_684 : vector<1x16xf32> to vector<16xf32>
        %swap3A_686 = vector.shape_cast %add3A_677 : vector<16xf32> to vector<1x16xf32>
        tpu.vector_store %swap3A_681[%swap3A_682, %swap3A_683], %swap3A_686 {strides = array<i32>} : memref<128x256xf32, #tpu.memory_space<vmem>>, vector<1x16xf32>,
        %get3A_687 = arith.constant 0 : i32
        %get3A_688 = arith.constant 0 : i32
        %get3A_689 = tpu.memref_slice %arg4[%scan3A_136, %get3A_687, %get3A_688] : memref<2x128x256xf32, #tpu.memory_space<vmem>> -> memref<1x128x256xf32, #tpu.memory_space<vmem>>
        %get3A_690 = tpu.memref_squeeze %get3A_689 : memref<1x128x256xf32, #tpu.memory_space<vmem>> -> memref<128x256xf32, #tpu.memory_space<vmem>>
        %get3A_691 = arith.index_cast %scan3A_524 : i32 to index
        %get3A_692 = arith.constant 144 : index
        %get3A_693 = tpu.vector_load %get3A_690[%get3A_691, %get3A_692] {strides = array<i32>} : memref<128x256xf32, #tpu.memory_space<vmem>>, vector<1x16xf32>,
        %get3A_694 = vector.shape_cast %get3A_693 : vector<1x16xf32> to vector<16xf32>
        %add3A_695 = arith.addf %add3A_405, %get3A_694 : vector<16xf32>
        %swap3A_696 = arith.constant 0 : i32
        %swap3A_697 = arith.constant 0 : i32
        %swap3A_698 = tpu.memref_slice %arg5[%scan3A_137, %swap3A_696, %swap3A_697] : memref<2x128x256xf32, #tpu.memory_space<vmem>> -> memref<1x128x256xf32, #tpu.memory_space<vmem>>
        %swap3A_699 = tpu.memref_squeeze %swap3A_698 : memref<1x128x256xf32, #tpu.memory_space<vmem>> -> memref<128x256xf32, #tpu.memory_space<vmem>>
        %swap3A_700 = arith.index_cast %scan3A_524 : i32 to index
        %swap3A_701 = arith.constant 144 : index
        %swap3A_702 = tpu.vector_load %swap3A_699[%swap3A_700, %swap3A_701] {strides = array<i32>} : memref<128x256xf32, #tpu.memory_space<vmem>>, vector<1x16xf32>,
        %swap3A_703 = vector.shape_cast %swap3A_702 : vector<1x16xf32> to vector<16xf32>
        %swap3A_704 = vector.shape_cast %add3A_695 : vector<16xf32> to vector<1x16xf32>
        tpu.vector_store %swap3A_699[%swap3A_700, %swap3A_701], %swap3A_704 {strides = array<i32>} : memref<128x256xf32, #tpu.memory_space<vmem>>, vector<1x16xf32>,
        %get3A_705 = arith.constant 0 : i32
        %get3A_706 = arith.constant 0 : i32
        %get3A_707 = tpu.memref_slice %arg4[%scan3A_136, %get3A_705, %get3A_706] : memref<2x128x256xf32, #tpu.memory_space<vmem>> -> memref<1x128x256xf32, #tpu.memory_space<vmem>>
        %get3A_708 = tpu.memref_squeeze %get3A_707 : memref<1x128x256xf32, #tpu.memory_space<vmem>> -> memref<128x256xf32, #tpu.memory_space<vmem>>
        %get3A_709 = arith.index_cast %scan3A_524 : i32 to index
        %get3A_710 = arith.constant 160 : index
        %get3A_711 = tpu.vector_load %get3A_708[%get3A_709, %get3A_710] {strides = array<i32>} : memref<128x256xf32, #tpu.memory_space<vmem>>, vector<1x16xf32>,
        %get3A_712 = vector.shape_cast %get3A_711 : vector<1x16xf32> to vector<16xf32>
        %add3A_713 = arith.addf %add3A_423, %get3A_712 : vector<16xf32>
        %swap3A_714 = arith.constant 0 : i32
        %swap3A_715 = arith.constant 0 : i32
        %swap3A_716 = tpu.memref_slice %arg5[%scan3A_137, %swap3A_714, %swap3A_715] : memref<2x128x256xf32, #tpu.memory_space<vmem>> -> memref<1x128x256xf32, #tpu.memory_space<vmem>>
        %swap3A_717 = tpu.memref_squeeze %swap3A_716 : memref<1x128x256xf32, #tpu.memory_space<vmem>> -> memref<128x256xf32, #tpu.memory_space<vmem>>
        %swap3A_718 = arith.index_cast %scan3A_524 : i32 to index
        %swap3A_719 = arith.constant 160 : index
        %swap3A_720 = tpu.vector_load %swap3A_717[%swap3A_718, %swap3A_719] {strides = array<i32>} : memref<128x256xf32, #tpu.memory_space<vmem>>, vector<1x16xf32>,
        %swap3A_721 = vector.shape_cast %swap3A_720 : vector<1x16xf32> to vector<16xf32>
        %swap3A_722 = vector.shape_cast %add3A_713 : vector<16xf32> to vector<1x16xf32>
        tpu.vector_store %swap3A_717[%swap3A_718, %swap3A_719], %swap3A_722 {strides = array<i32>} : memref<128x256xf32, #tpu.memory_space<vmem>>, vector<1x16xf32>,
        %get3A_723 = arith.constant 0 : i32
        %get3A_724 = arith.constant 0 : i32
        %get3A_725 = tpu.memref_slice %arg4[%scan3A_136, %get3A_723, %get3A_724] : memref<2x128x256xf32, #tpu.memory_space<vmem>> -> memref<1x128x256xf32, #tpu.memory_space<vmem>>
        %get3A_726 = tpu.memref_squeeze %get3A_725 : memref<1x128x256xf32, #tpu.memory_space<vmem>> -> memref<128x256xf32, #tpu.memory_space<vmem>>
        %get3A_727 = arith.index_cast %scan3A_524 : i32 to index
        %get3A_728 = arith.constant 176 : index
        %get3A_729 = tpu.vector_load %get3A_726[%get3A_727, %get3A_728] {strides = array<i32>} : memref<128x256xf32, #tpu.memory_space<vmem>>, vector<1x16xf32>,
        %get3A_730 = vector.shape_cast %get3A_729 : vector<1x16xf32> to vector<16xf32>
        %add3A_731 = arith.addf %add3A_441, %get3A_730 : vector<16xf32>
        %swap3A_732 = arith.constant 0 : i32
        %swap3A_733 = arith.constant 0 : i32
        %swap3A_734 = tpu.memref_slice %arg5[%scan3A_137, %swap3A_732, %swap3A_733] : memref<2x128x256xf32, #tpu.memory_space<vmem>> -> memref<1x128x256xf32, #tpu.memory_space<vmem>>
        %swap3A_735 = tpu.memref_squeeze %swap3A_734 : memref<1x128x256xf32, #tpu.memory_space<vmem>> -> memref<128x256xf32, #tpu.memory_space<vmem>>
        %swap3A_736 = arith.index_cast %scan3A_524 : i32 to index
        %swap3A_737 = arith.constant 176 : index
        %swap3A_738 = tpu.vector_load %swap3A_735[%swap3A_736, %swap3A_737] {strides = array<i32>} : memref<128x256xf32, #tpu.memory_space<vmem>>, vector<1x16xf32>,
        %swap3A_739 = vector.shape_cast %swap3A_738 : vector<1x16xf32> to vector<16xf32>
        %swap3A_740 = vector.shape_cast %add3A_731 : vector<16xf32> to vector<1x16xf32>
        tpu.vector_store %swap3A_735[%swap3A_736, %swap3A_737], %swap3A_740 {strides = array<i32>} : memref<128x256xf32, #tpu.memory_space<vmem>>, vector<1x16xf32>,
        %get3A_741 = arith.constant 0 : i32
        %get3A_742 = arith.constant 0 : i32
        %get3A_743 = tpu.memref_slice %arg4[%scan3A_136, %get3A_741, %get3A_742] : memref<2x128x256xf32, #tpu.memory_space<vmem>> -> memref<1x128x256xf32, #tpu.memory_space<vmem>>
        %get3A_744 = tpu.memref_squeeze %get3A_743 : memref<1x128x256xf32, #tpu.memory_space<vmem>> -> memref<128x256xf32, #tpu.memory_space<vmem>>
        %get3A_745 = arith.index_cast %scan3A_524 : i32 to index
        %get3A_746 = arith.constant 192 : index
        %get3A_747 = tpu.vector_load %get3A_744[%get3A_745, %get3A_746] {strides = array<i32>} : memref<128x256xf32, #tpu.memory_space<vmem>>, vector<1x16xf32>,
        %get3A_748 = vector.shape_cast %get3A_747 : vector<1x16xf32> to vector<16xf32>
        %add3A_749 = arith.addf %add3A_459, %get3A_748 : vector<16xf32>
        %swap3A_750 = arith.constant 0 : i32
        %swap3A_751 = arith.constant 0 : i32
        %swap3A_752 = tpu.memref_slice %arg5[%scan3A_137, %swap3A_750, %swap3A_751] : memref<2x128x256xf32, #tpu.memory_space<vmem>> -> memref<1x128x256xf32, #tpu.memory_space<vmem>>
        %swap3A_753 = tpu.memref_squeeze %swap3A_752 : memref<1x128x256xf32, #tpu.memory_space<vmem>> -> memref<128x256xf32, #tpu.memory_space<vmem>>
        %swap3A_754 = arith.index_cast %scan3A_524 : i32 to index
        %swap3A_755 = arith.constant 192 : index
        %swap3A_756 = tpu.vector_load %swap3A_753[%swap3A_754, %swap3A_755] {strides = array<i32>} : memref<128x256xf32, #tpu.memory_space<vmem>>, vector<1x16xf32>,
        %swap3A_757 = vector.shape_cast %swap3A_756 : vector<1x16xf32> to vector<16xf32>
        %swap3A_758 = vector.shape_cast %add3A_749 : vector<16xf32> to vector<1x16xf32>
        tpu.vector_store %swap3A_753[%swap3A_754, %swap3A_755], %swap3A_758 {strides = array<i32>} : memref<128x256xf32, #tpu.memory_space<vmem>>, vector<1x16xf32>,
        %get3A_759 = arith.constant 0 : i32
        %get3A_760 = arith.constant 0 : i32
        %get3A_761 = tpu.memref_slice %arg4[%scan3A_136, %get3A_759, %get3A_760] : memref<2x128x256xf32, #tpu.memory_space<vmem>> -> memref<1x128x256xf32, #tpu.memory_space<vmem>>
        %get3A_762 = tpu.memref_squeeze %get3A_761 : memref<1x128x256xf32, #tpu.memory_space<vmem>> -> memref<128x256xf32, #tpu.memory_space<vmem>>
        %get3A_763 = arith.index_cast %scan3A_524 : i32 to index
        %get3A_764 = arith.constant 208 : index
        %get3A_765 = tpu.vector_load %get3A_762[%get3A_763, %get3A_764] {strides = array<i32>} : memref<128x256xf32, #tpu.memory_space<vmem>>, vector<1x16xf32>,
        %get3A_766 = vector.shape_cast %get3A_765 : vector<1x16xf32> to vector<16xf32>
        %add3A_767 = arith.addf %add3A_477, %get3A_766 : vector<16xf32>
        %swap3A_768 = arith.constant 0 : i32
        %swap3A_769 = arith.constant 0 : i32
        %swap3A_770 = tpu.memref_slice %arg5[%scan3A_137, %swap3A_768, %swap3A_769] : memref<2x128x256xf32, #tpu.memory_space<vmem>> -> memref<1x128x256xf32, #tpu.memory_space<vmem>>
        %swap3A_771 = tpu.memref_squeeze %swap3A_770 : memref<1x128x256xf32, #tpu.memory_space<vmem>> -> memref<128x256xf32, #tpu.memory_space<vmem>>
        %swap3A_772 = arith.index_cast %scan3A_524 : i32 to index
        %swap3A_773 = arith.constant 208 : index
        %swap3A_774 = tpu.vector_load %swap3A_771[%swap3A_772, %swap3A_773] {strides = array<i32>} : memref<128x256xf32, #tpu.memory_space<vmem>>, vector<1x16xf32>,
        %swap3A_775 = vector.shape_cast %swap3A_774 : vector<1x16xf32> to vector<16xf32>
        %swap3A_776 = vector.shape_cast %add3A_767 : vector<16xf32> to vector<1x16xf32>
        tpu.vector_store %swap3A_771[%swap3A_772, %swap3A_773], %swap3A_776 {strides = array<i32>} : memref<128x256xf32, #tpu.memory_space<vmem>>, vector<1x16xf32>,
        %get3A_777 = arith.constant 0 : i32
        %get3A_778 = arith.constant 0 : i32
        %get3A_779 = tpu.memref_slice %arg4[%scan3A_136, %get3A_777, %get3A_778] : memref<2x128x256xf32, #tpu.memory_space<vmem>> -> memref<1x128x256xf32, #tpu.memory_space<vmem>>
        %get3A_780 = tpu.memref_squeeze %get3A_779 : memref<1x128x256xf32, #tpu.memory_space<vmem>> -> memref<128x256xf32, #tpu.memory_space<vmem>>
        %get3A_781 = arith.index_cast %scan3A_524 : i32 to index
        %get3A_782 = arith.constant 224 : index
        %get3A_783 = tpu.vector_load %get3A_780[%get3A_781, %get3A_782] {strides = array<i32>} : memref<128x256xf32, #tpu.memory_space<vmem>>, vector<1x16xf32>,
        %get3A_784 = vector.shape_cast %get3A_783 : vector<1x16xf32> to vector<16xf32>
        %add3A_785 = arith.addf %add3A_495, %get3A_784 : vector<16xf32>
        %swap3A_786 = arith.constant 0 : i32
        %swap3A_787 = arith.constant 0 : i32
        %swap3A_788 = tpu.memref_slice %arg5[%scan3A_137, %swap3A_786, %swap3A_787] : memref<2x128x256xf32, #tpu.memory_space<vmem>> -> memref<1x128x256xf32, #tpu.memory_space<vmem>>
        %swap3A_789 = tpu.memref_squeeze %swap3A_788 : memref<1x128x256xf32, #tpu.memory_space<vmem>> -> memref<128x256xf32, #tpu.memory_space<vmem>>
        %swap3A_790 = arith.index_cast %scan3A_524 : i32 to index
        %swap3A_791 = arith.constant 224 : index
        %swap3A_792 = tpu.vector_load %swap3A_789[%swap3A_790, %swap3A_791] {strides = array<i32>} : memref<128x256xf32, #tpu.memory_space<vmem>>, vector<1x16xf32>,
        %swap3A_793 = vector.shape_cast %swap3A_792 : vector<1x16xf32> to vector<16xf32>
        %swap3A_794 = vector.shape_cast %add3A_785 : vector<16xf32> to vector<1x16xf32>
        tpu.vector_store %swap3A_789[%swap3A_790, %swap3A_791], %swap3A_794 {strides = array<i32>} : memref<128x256xf32, #tpu.memory_space<vmem>>, vector<1x16xf32>,
        %get3A_795 = arith.constant 0 : i32
        %get3A_796 = arith.constant 0 : i32
        %get3A_797 = tpu.memref_slice %arg4[%scan3A_136, %get3A_795, %get3A_796] : memref<2x128x256xf32, #tpu.memory_space<vmem>> -> memref<1x128x256xf32, #tpu.memory_space<vmem>>
        %get3A_798 = tpu.memref_squeeze %get3A_797 : memref<1x128x256xf32, #tpu.memory_space<vmem>> -> memref<128x256xf32, #tpu.memory_space<vmem>>
        %get3A_799 = arith.index_cast %scan3A_524 : i32 to index
        %get3A_800 = arith.constant 240 : index
        %get3A_801 = tpu.vector_load %get3A_798[%get3A_799, %get3A_800] {strides = array<i32>} : memref<128x256xf32, #tpu.memory_space<vmem>>, vector<1x16xf32>,
        %get3A_802 = vector.shape_cast %get3A_801 : vector<1x16xf32> to vector<16xf32>
        %add3A_803 = arith.addf %add3A_513, %get3A_802 : vector<16xf32>
        %swap3A_804 = arith.constant 0 : i32
        %swap3A_805 = arith.constant 0 : i32
        %swap3A_806 = tpu.memref_slice %arg5[%scan3A_137, %swap3A_804, %swap3A_805] : memref<2x128x256xf32, #tpu.memory_space<vmem>> -> memref<1x128x256xf32, #tpu.memory_space<vmem>>
        %swap3A_807 = tpu.memref_squeeze %swap3A_806 : memref<1x128x256xf32, #tpu.memory_space<vmem>> -> memref<128x256xf32, #tpu.memory_space<vmem>>
        %swap3A_808 = arith.index_cast %scan3A_524 : i32 to index
        %swap3A_809 = arith.constant 240 : index
        %swap3A_810 = tpu.vector_load %swap3A_807[%swap3A_808, %swap3A_809] {strides = array<i32>} : memref<128x256xf32, #tpu.memory_space<vmem>>, vector<1x16xf32>,
        %swap3A_811 = vector.shape_cast %swap3A_810 : vector<1x16xf32> to vector<16xf32>
        %swap3A_812 = vector.shape_cast %add3A_803 : vector<16xf32> to vector<1x16xf32>
        tpu.vector_store %swap3A_807[%swap3A_808, %swap3A_809], %swap3A_812 {strides = array<i32>} : memref<128x256xf32, #tpu.memory_space<vmem>>, vector<1x16xf32>,
        scf.yield %add3A_533, %add3A_551, %add3A_569, %add3A_587, %add3A_605, %add3A_623, %add3A_641, %add3A_659, %add3A_677, %add3A_695, %add3A_713, %add3A_731, %add3A_749, %add3A_767, %add3A_785, %add3A_803 : vector<16xf32>, vector<16xf32>, vector<16xf32>, vector<16xf32>, vector<16xf32>, vector<16xf32>, vector<16xf32>, vector<16xf32>, vector<16xf32>, vector<16xf32>, vector<16xf32>, vector<16xf32>, vector<16xf32>, vector<16xf32>, vector<16xf32>, vector<16xf32>
      }
      %scan3A_143 = arith.constant 128 : i32
      %barrier3A = arith.constant 0 : index
      tpu.barrier barrier_id(%barrier3A)
      %mul3A_144 = arith.constant 128 : i32
      %mul3A_145 = arith.muli %add3A_117, %mul3A_144 : i32
      %dma_start3A_146 = arith.constant 0 : i32
      %dma_start3A_147 = arith.constant 0 : i32
      %dma_start3A_148 = arith.constant 0 : i32
      %dma_start3A_149 = tpu.memref_slice %arg5[%dma_start3A_146, %dma_start3A_147, %dma_start3A_148] : memref<2x128x256xf32, #tpu.memory_space<vmem>> -> memref<1x128x256xf32, #tpu.memory_space<vmem>>
      %dma_start3A_150 = tpu.memref_squeeze %dma_start3A_149 : memref<1x128x256xf32, #tpu.memory_space<vmem>> -> memref<128x256xf32, #tpu.memory_space<vmem>>
      %dma_start3A_151 = tpu.memref_slice %arg3[%select_n3A, %mul3A_145, %mul3A_32] : memref<2x4096x4096xf32, #tpu.memory_space<hbm>> -> memref<1x128x256xf32, #tpu.memory_space<hbm>>
      %dma_start3A_152 = tpu.memref_squeeze %dma_start3A_151 : memref<1x128x256xf32, #tpu.memory_space<hbm>> -> memref<128x256xf32, #tpu.memory_space<hbm>>
      %dma_start3A_153 = tpu.memref_slice %arg3[%select_n3A, %mul3A_145, %mul3A_32] : memref<2x4096x4096xf32, #tpu.memory_space<hbm>> -> memref<1x128x256xf32, #tpu.memory_space<hbm>>
      %dma_start3A_154 = tpu.memref_squeeze %dma_start3A_153 : memref<1x128x256xf32, #tpu.memory_space<hbm>> -> memref<128x256xf32, #tpu.memory_space<hbm>>
      %dma_start3A_155 = arith.constant 0 : i32
      %dma_start3A_156 = arith.constant 0 : i32
      %dma_start3A_157 = tpu.memref_slice %arg5[%dma_start3A_146, %dma_start3A_155, %dma_start3A_156] : memref<2x128x256xf32, #tpu.memory_space<vmem>> -> memref<1x128x256xf32, #tpu.memory_space<vmem>>
      %dma_start3A_158 = tpu.memref_squeeze %dma_start3A_157 : memref<1x128x256xf32, #tpu.memory_space<vmem>> -> memref<128x256xf32, #tpu.memory_space<vmem>>
      tpu.enqueue_dma source(%dma_start3A_158 : memref<128x256xf32, #tpu.memory_space<vmem>>) target(%dma_start3A_154 : memref<128x256xf32, #tpu.memory_space<hbm>>) target_semaphore(%arg8 : memref<!tpu.dma_semaphore, #tpu.memory_space<semaphore_mem>>)
      %lt3A_159 = arith.constant 15 : i32
      %lt3A_160 = arith.cmpi slt, %scan3A_97, %lt3A_159 : i32
      %convert_element_type3A_161 = arith.extui %lt3A_160 : i1 to i32
      %cond3A_162 = arith.constant 0 : i32
      %cond3A_163 = arith.constant 0 : i32
      %cond3A_164 = arith.cmpi ne, %convert_element_type3A_161, %cond3A_163 : i32
      scf.if %cond3A_164 {
        %add3A_220 = arith.constant 2 : i32
        %add3A_221 = arith.addi %add3A_117, %add3A_220 : i32
        %mul3A_222 = arith.constant 128 : i32
        %mul3A_223 = arith.muli %add3A_221, %mul3A_222 : i32
        %dma_start3A_224 = arith.constant 0 : i32
        %dma_start3A_225 = arith.constant 0 : i32
        %dma_start3A_226 = tpu.memref_slice %arg4[%cond3A_162, %dma_start3A_224, %dma_start3A_225] : memref<2x128x256xf32, #tpu.memory_space<vmem>> -> memref<1x128x256xf32, #tpu.memory_space<vmem>>
        %dma_start3A_227 = tpu.memref_squeeze %dma_start3A_226 : memref<1x128x256xf32, #tpu.memory_space<vmem>> -> memref<128x256xf32, #tpu.memory_space<vmem>>
        %dma_start3A_228 = tpu.memref_slice %arg2[%select_n3A, %mul3A_223, %mul3A_32] : memref<2x4096x4096xf32, #tpu.memory_space<hbm>> -> memref<1x128x256xf32, #tpu.memory_space<hbm>>
        %dma_start3A_229 = tpu.memref_squeeze %dma_start3A_228 : memref<1x128x256xf32, #tpu.memory_space<hbm>> -> memref<128x256xf32, #tpu.memory_space<hbm>>
        %dma_start3A_230 = arith.constant 0 : i32
        %dma_start3A_231 = arith.constant 0 : i32
        %dma_start3A_232 = tpu.memref_slice %arg4[%cond3A_162, %dma_start3A_230, %dma_start3A_231] : memref<2x128x256xf32, #tpu.memory_space<vmem>> -> memref<1x128x256xf32, #tpu.memory_space<vmem>>
        %dma_start3A_233 = tpu.memref_squeeze %dma_start3A_232 : memref<1x128x256xf32, #tpu.memory_space<vmem>> -> memref<128x256xf32, #tpu.memory_space<vmem>>
        %dma_start3A_234 = tpu.memref_slice %arg2[%select_n3A, %mul3A_223, %mul3A_32] : memref<2x4096x4096xf32, #tpu.memory_space<hbm>> -> memref<1x128x256xf32, #tpu.memory_space<hbm>>
        %dma_start3A_235 = tpu.memref_squeeze %dma_start3A_234 : memref<1x128x256xf32, #tpu.memory_space<hbm>> -> memref<128x256xf32, #tpu.memory_space<hbm>>
        tpu.enqueue_dma source(%dma_start3A_235 : memref<128x256xf32, #tpu.memory_space<hbm>>) target(%dma_start3A_233 : memref<128x256xf32, #tpu.memory_space<vmem>>) target_semaphore(%arg6 : memref<!tpu.dma_semaphore, #tpu.memory_space<semaphore_mem>>)
      } else {
      }
      %mul3A_165 = arith.constant 2 : i32
      %mul3A_166 = arith.muli %scan3A_97, %mul3A_165 : i32
      %add3A_167 = arith.constant 1 : i32
      %add3A_168 = arith.addi %mul3A_166, %add3A_167 : i32
      %mul3A_169 = arith.constant 128 : i32
      %mul3A_170 = arith.muli %add3A_168, %mul3A_169 : i32
      %dma_wait3A_171 = arith.constant 1 : i32
      %dma_wait3A_172 = arith.constant 0 : i32
      %dma_wait3A_173 = arith.constant 0 : i32
      %dma_wait3A_174 = tpu.memref_slice %arg4[%dma_wait3A_171, %dma_wait3A_172, %dma_wait3A_173] : memref<2x128x256xf32, #tpu.memory_space<vmem>> -> memref<1x128x256xf32, #tpu.memory_space<vmem>>
      %dma_wait3A_175 = tpu.memref_squeeze %dma_wait3A_174 : memref<1x128x256xf32, #tpu.memory_space<vmem>> -> memref<128x256xf32, #tpu.memory_space<vmem>>
      %dma_wait3A_176 = tpu.memref_slice %arg2[%select_n3A, %mul3A_170, %mul3A_32] : memref<2x4096x4096xf32, #tpu.memory_space<hbm>> -> memref<1x128x256xf32, #tpu.memory_space<hbm>>
      %dma_wait3A_177 = tpu.memref_squeeze %dma_wait3A_176 : memref<1x128x256xf32, #tpu.memory_space<hbm>> -> memref<128x256xf32, #tpu.memory_space<hbm>>
      %dma_wait3A_178 = arith.constant 0 : i32
      %dma_wait3A_179 = arith.constant 0 : i32
      %dma_wait3A_180 = tpu.memref_slice %arg4[%dma_wait3A_171, %dma_wait3A_178, %dma_wait3A_179] : memref<2x128x256xf32, #tpu.memory_space<vmem>> -> memref<1x128x256xf32, #tpu.memory_space<vmem>>
      %dma_wait3A_181 = tpu.memref_squeeze %dma_wait3A_180 : memref<1x128x256xf32, #tpu.memory_space<vmem>> -> memref<128x256xf32, #tpu.memory_space<vmem>>
      %dma_wait3A_182 = tpu.memref_slice %arg2[%select_n3A, %mul3A_170, %mul3A_32] : memref<2x4096x4096xf32, #tpu.memory_space<hbm>> -> memref<1x128x256xf32, #tpu.memory_space<hbm>>
      %dma_wait3A_183 = tpu.memref_squeeze %dma_wait3A_182 : memref<1x128x256xf32, #tpu.memory_space<hbm>> -> memref<128x256xf32, #tpu.memory_space<hbm>>
      tpu.wait_dma2 semaphore(%arg7 : memref<!tpu.dma_semaphore, #tpu.memory_space<semaphore_mem>>) src(%dma_wait3A_183 : memref<128x256xf32, #tpu.memory_space<hbm>>) dst(%dma_wait3A_181 : memref<128x256xf32, #tpu.memory_space<vmem>>)
      %gt3A_184 = arith.constant 0 : i32
      %gt3A_185 = arith.cmpi sgt, %scan3A_97, %gt3A_184 : i32
      %convert_element_type3A_186 = arith.extui %gt3A_185 : i1 to i32
      %cond3A_187 = arith.constant 1 : i32
      %cond3A_188 = arith.constant 0 : i32
      %cond3A_189 = arith.cmpi ne, %convert_element_type3A_186, %cond3A_188 : i32
      scf.if %cond3A_189 {
        %mul3A_220 = arith.constant 128 : i32
        %mul3A_221 = arith.muli %add3A_168, %mul3A_220 : i32
        %dma_wait3A_222 = arith.constant 0 : i32
        %dma_wait3A_223 = arith.constant 0 : i32
        %dma_wait3A_224 = tpu.memref_slice %arg5[%cond3A_187, %dma_wait3A_222, %dma_wait3A_223] : memref<2x128x256xf32, #tpu.memory_space<vmem>> -> memref<1x128x256xf32, #tpu.memory_space<vmem>>
        %dma_wait3A_225 = tpu.memref_squeeze %dma_wait3A_224 : memref<1x128x256xf32, #tpu.memory_space<vmem>> -> memref<128x256xf32, #tpu.memory_space<vmem>>
        %dma_wait3A_226 = tpu.memref_slice %arg3[%select_n3A, %mul3A_221, %mul3A_32] : memref<2x4096x4096xf32, #tpu.memory_space<hbm>> -> memref<1x128x256xf32, #tpu.memory_space<hbm>>
        %dma_wait3A_227 = tpu.memref_squeeze %dma_wait3A_226 : memref<1x128x256xf32, #tpu.memory_space<hbm>> -> memref<128x256xf32, #tpu.memory_space<hbm>>
        %dma_wait3A_228 = tpu.memref_slice %arg3[%select_n3A, %mul3A_221, %mul3A_32] : memref<2x4096x4096xf32, #tpu.memory_space<hbm>> -> memref<1x128x256xf32, #tpu.memory_space<hbm>>
        %dma_wait3A_229 = tpu.memref_squeeze %dma_wait3A_228 : memref<1x128x256xf32, #tpu.memory_space<hbm>> -> memref<128x256xf32, #tpu.memory_space<hbm>>
        %dma_wait3A_230 = arith.constant 0 : i32
        %dma_wait3A_231 = arith.constant 0 : i32
        %dma_wait3A_232 = tpu.memref_slice %arg5[%cond3A_187, %dma_wait3A_230, %dma_wait3A_231] : memref<2x128x256xf32, #tpu.memory_space<vmem>> -> memref<1x128x256xf32, #tpu.memory_space<vmem>>
        %dma_wait3A_233 = tpu.memref_squeeze %dma_wait3A_232 : memref<1x128x256xf32, #tpu.memory_space<vmem>> -> memref<128x256xf32, #tpu.memory_space<vmem>>
        tpu.wait_dma2 semaphore(%arg9 : memref<!tpu.dma_semaphore, #tpu.memory_space<semaphore_mem>>) src(%dma_wait3A_233 : memref<128x256xf32, #tpu.memory_space<vmem>>) dst(%dma_wait3A_229 : memref<128x256xf32, #tpu.memory_space<hbm>>)
      } else {
      }
      %scan3A_190 = arith.constant 1 : i32
      %scan3A_191 = arith.constant 1 : i32
      %scan3A_192 = arith.constant 0 : i32
      %scan3A_193 = arith.constant 128 : i32
      %scan3A_194 = arith.addi %scan3A_192, %scan3A_193 : i32
      %scan3A_195 = arith.constant 2 : i32
      %scan3A_196:16 = scf.for %scan3A_220 = %scan3A_192 to %scan3A_194 step %scan3A_195 iter_args(%scan3A_221 = %scan3A_142#0, %scan3A_222 = %scan3A_142#1, %scan3A_223 = %scan3A_142#2, %scan3A_224 = %scan3A_142#3, %scan3A_225 = %scan3A_142#4, %scan3A_226 = %scan3A_142#5, %scan3A_227 = %scan3A_142#6, %scan3A_228 = %scan3A_142#7, %scan3A_229 = %scan3A_142#8, %scan3A_230 = %scan3A_142#9, %scan3A_231 = %scan3A_142#10, %scan3A_232 = %scan3A_142#11, %scan3A_233 = %scan3A_142#12, %scan3A_234 = %scan3A_142#13, %scan3A_235 = %scan3A_142#14, %scan3A_236 = %scan3A_142#15) -> (vector<16xf32>, vector<16xf32>, vector<16xf32>, vector<16xf32>, vector<16xf32>, vector<16xf32>, vector<16xf32>, vector<16xf32>, vector<16xf32>, vector<16xf32>, vector<16xf32>, vector<16xf32>, vector<16xf32>, vector<16xf32>, vector<16xf32>, vector<16xf32>)  : i32 {
        %get3A = arith.constant 0 : i32
        %get3A_237 = arith.constant 0 : i32
        %get3A_238 = tpu.memref_slice %arg4[%scan3A_190, %get3A, %get3A_237] : memref<2x128x256xf32, #tpu.memory_space<vmem>> -> memref<1x128x256xf32, #tpu.memory_space<vmem>>
        %get3A_239 = tpu.memref_squeeze %get3A_238 : memref<1x128x256xf32, #tpu.memory_space<vmem>> -> memref<128x256xf32, #tpu.memory_space<vmem>>
        %get3A_240 = arith.index_cast %scan3A_220 : i32 to index
        %get3A_241 = arith.constant 0 : index
        %get3A_242 = tpu.vector_load %get3A_239[%get3A_240, %get3A_241] {strides = array<i32>} : memref<128x256xf32, #tpu.memory_space<vmem>>, vector<1x16xf32>,
        %get3A_243 = vector.shape_cast %get3A_242 : vector<1x16xf32> to vector<16xf32>
        %add3A_244 = arith.addf %scan3A_221, %get3A_243 : vector<16xf32>
        %swap3A = arith.constant 0 : i32
        %swap3A_245 = arith.constant 0 : i32
        %swap3A_246 = tpu.memref_slice %arg5[%scan3A_191, %swap3A, %swap3A_245] : memref<2x128x256xf32, #tpu.memory_space<vmem>> -> memref<1x128x256xf32, #tpu.memory_space<vmem>>
        %swap3A_247 = tpu.memref_squeeze %swap3A_246 : memref<1x128x256xf32, #tpu.memory_space<vmem>> -> memref<128x256xf32, #tpu.memory_space<vmem>>
        %swap3A_248 = arith.index_cast %scan3A_220 : i32 to index
        %swap3A_249 = arith.constant 0 : index
        %swap3A_250 = tpu.vector_load %swap3A_247[%swap3A_248, %swap3A_249] {strides = array<i32>} : memref<128x256xf32, #tpu.memory_space<vmem>>, vector<1x16xf32>,
        %swap3A_251 = vector.shape_cast %swap3A_250 : vector<1x16xf32> to vector<16xf32>
        %swap3A_252 = vector.shape_cast %add3A_244 : vector<16xf32> to vector<1x16xf32>
        tpu.vector_store %swap3A_247[%swap3A_248, %swap3A_249], %swap3A_252 {strides = array<i32>} : memref<128x256xf32, #tpu.memory_space<vmem>>, vector<1x16xf32>,
        %get3A_253 = arith.constant 0 : i32
        %get3A_254 = arith.constant 0 : i32
        %get3A_255 = tpu.memref_slice %arg4[%scan3A_190, %get3A_253, %get3A_254] : memref<2x128x256xf32, #tpu.memory_space<vmem>> -> memref<1x128x256xf32, #tpu.memory_space<vmem>>
        %get3A_256 = tpu.memref_squeeze %get3A_255 : memref<1x128x256xf32, #tpu.memory_space<vmem>> -> memref<128x256xf32, #tpu.memory_space<vmem>>
        %get3A_257 = arith.index_cast %scan3A_220 : i32 to index
        %get3A_258 = arith.constant 16 : index
        %get3A_259 = tpu.vector_load %get3A_256[%get3A_257, %get3A_258] {strides = array<i32>} : memref<128x256xf32, #tpu.memory_space<vmem>>, vector<1x16xf32>,
        %get3A_260 = vector.shape_cast %get3A_259 : vector<1x16xf32> to vector<16xf32>
        %add3A_261 = arith.addf %scan3A_222, %get3A_260 : vector<16xf32>
        %swap3A_262 = arith.constant 0 : i32
        %swap3A_263 = arith.constant 0 : i32
        %swap3A_264 = tpu.memref_slice %arg5[%scan3A_191, %swap3A_262, %swap3A_263] : memref<2x128x256xf32, #tpu.memory_space<vmem>> -> memref<1x128x256xf32, #tpu.memory_space<vmem>>
        %swap3A_265 = tpu.memref_squeeze %swap3A_264 : memref<1x128x256xf32, #tpu.memory_space<vmem>> -> memref<128x256xf32, #tpu.memory_space<vmem>>
        %swap3A_266 = arith.index_cast %scan3A_220 : i32 to index
        %swap3A_267 = arith.constant 16 : index
        %swap3A_268 = tpu.vector_load %swap3A_265[%swap3A_266, %swap3A_267] {strides = array<i32>} : memref<128x256xf32, #tpu.memory_space<vmem>>, vector<1x16xf32>,
        %swap3A_269 = vector.shape_cast %swap3A_268 : vector<1x16xf32> to vector<16xf32>
        %swap3A_270 = vector.shape_cast %add3A_261 : vector<16xf32> to vector<1x16xf32>
        tpu.vector_store %swap3A_265[%swap3A_266, %swap3A_267], %swap3A_270 {strides = array<i32>} : memref<128x256xf32, #tpu.memory_space<vmem>>, vector<1x16xf32>,
        %get3A_271 = arith.constant 0 : i32
        %get3A_272 = arith.constant 0 : i32
        %get3A_273 = tpu.memref_slice %arg4[%scan3A_190, %get3A_271, %get3A_272] : memref<2x128x256xf32, #tpu.memory_space<vmem>> -> memref<1x128x256xf32, #tpu.memory_space<vmem>>
        %get3A_274 = tpu.memref_squeeze %get3A_273 : memref<1x128x256xf32, #tpu.memory_space<vmem>> -> memref<128x256xf32, #tpu.memory_space<vmem>>
        %get3A_275 = arith.index_cast %scan3A_220 : i32 to index
        %get3A_276 = arith.constant 32 : index
        %get3A_277 = tpu.vector_load %get3A_274[%get3A_275, %get3A_276] {strides = array<i32>} : memref<128x256xf32, #tpu.memory_space<vmem>>, vector<1x16xf32>,
        %get3A_278 = vector.shape_cast %get3A_277 : vector<1x16xf32> to vector<16xf32>
        %add3A_279 = arith.addf %scan3A_223, %get3A_278 : vector<16xf32>
        %swap3A_280 = arith.constant 0 : i32
        %swap3A_281 = arith.constant 0 : i32
        %swap3A_282 = tpu.memref_slice %arg5[%scan3A_191, %swap3A_280, %swap3A_281] : memref<2x128x256xf32, #tpu.memory_space<vmem>> -> memref<1x128x256xf32, #tpu.memory_space<vmem>>
        %swap3A_283 = tpu.memref_squeeze %swap3A_282 : memref<1x128x256xf32, #tpu.memory_space<vmem>> -> memref<128x256xf32, #tpu.memory_space<vmem>>
        %swap3A_284 = arith.index_cast %scan3A_220 : i32 to index
        %swap3A_285 = arith.constant 32 : index
        %swap3A_286 = tpu.vector_load %swap3A_283[%swap3A_284, %swap3A_285] {strides = array<i32>} : memref<128x256xf32, #tpu.memory_space<vmem>>, vector<1x16xf32>,
        %swap3A_287 = vector.shape_cast %swap3A_286 : vector<1x16xf32> to vector<16xf32>
        %swap3A_288 = vector.shape_cast %add3A_279 : vector<16xf32> to vector<1x16xf32>
        tpu.vector_store %swap3A_283[%swap3A_284, %swap3A_285], %swap3A_288 {strides = array<i32>} : memref<128x256xf32, #tpu.memory_space<vmem>>, vector<1x16xf32>,
        %get3A_289 = arith.constant 0 : i32
        %get3A_290 = arith.constant 0 : i32
        %get3A_291 = tpu.memref_slice %arg4[%scan3A_190, %get3A_289, %get3A_290] : memref<2x128x256xf32, #tpu.memory_space<vmem>> -> memref<1x128x256xf32, #tpu.memory_space<vmem>>
        %get3A_292 = tpu.memref_squeeze %get3A_291 : memref<1x128x256xf32, #tpu.memory_space<vmem>> -> memref<128x256xf32, #tpu.memory_space<vmem>>
        %get3A_293 = arith.index_cast %scan3A_220 : i32 to index
        %get3A_294 = arith.constant 48 : index
        %get3A_295 = tpu.vector_load %get3A_292[%get3A_293, %get3A_294] {strides = array<i32>} : memref<128x256xf32, #tpu.memory_space<vmem>>, vector<1x16xf32>,
        %get3A_296 = vector.shape_cast %get3A_295 : vector<1x16xf32> to vector<16xf32>
        %add3A_297 = arith.addf %scan3A_224, %get3A_296 : vector<16xf32>
        %swap3A_298 = arith.constant 0 : i32
        %swap3A_299 = arith.constant 0 : i32
        %swap3A_300 = tpu.memref_slice %arg5[%scan3A_191, %swap3A_298, %swap3A_299] : memref<2x128x256xf32, #tpu.memory_space<vmem>> -> memref<1x128x256xf32, #tpu.memory_space<vmem>>
        %swap3A_301 = tpu.memref_squeeze %swap3A_300 : memref<1x128x256xf32, #tpu.memory_space<vmem>> -> memref<128x256xf32, #tpu.memory_space<vmem>>
        %swap3A_302 = arith.index_cast %scan3A_220 : i32 to index
        %swap3A_303 = arith.constant 48 : index
        %swap3A_304 = tpu.vector_load %swap3A_301[%swap3A_302, %swap3A_303] {strides = array<i32>} : memref<128x256xf32, #tpu.memory_space<vmem>>, vector<1x16xf32>,
        %swap3A_305 = vector.shape_cast %swap3A_304 : vector<1x16xf32> to vector<16xf32>
        %swap3A_306 = vector.shape_cast %add3A_297 : vector<16xf32> to vector<1x16xf32>
        tpu.vector_store %swap3A_301[%swap3A_302, %swap3A_303], %swap3A_306 {strides = array<i32>} : memref<128x256xf32, #tpu.memory_space<vmem>>, vector<1x16xf32>,
        %get3A_307 = arith.constant 0 : i32
        %get3A_308 = arith.constant 0 : i32
        %get3A_309 = tpu.memref_slice %arg4[%scan3A_190, %get3A_307, %get3A_308] : memref<2x128x256xf32, #tpu.memory_space<vmem>> -> memref<1x128x256xf32, #tpu.memory_space<vmem>>
        %get3A_310 = tpu.memref_squeeze %get3A_309 : memref<1x128x256xf32, #tpu.memory_space<vmem>> -> memref<128x256xf32, #tpu.memory_space<vmem>>
        %get3A_311 = arith.index_cast %scan3A_220 : i32 to index
        %get3A_312 = arith.constant 64 : index
        %get3A_313 = tpu.vector_load %get3A_310[%get3A_311, %get3A_312] {strides = array<i32>} : memref<128x256xf32, #tpu.memory_space<vmem>>, vector<1x16xf32>,
        %get3A_314 = vector.shape_cast %get3A_313 : vector<1x16xf32> to vector<16xf32>
        %add3A_315 = arith.addf %scan3A_225, %get3A_314 : vector<16xf32>
        %swap3A_316 = arith.constant 0 : i32
        %swap3A_317 = arith.constant 0 : i32
        %swap3A_318 = tpu.memref_slice %arg5[%scan3A_191, %swap3A_316, %swap3A_317] : memref<2x128x256xf32, #tpu.memory_space<vmem>> -> memref<1x128x256xf32, #tpu.memory_space<vmem>>
        %swap3A_319 = tpu.memref_squeeze %swap3A_318 : memref<1x128x256xf32, #tpu.memory_space<vmem>> -> memref<128x256xf32, #tpu.memory_space<vmem>>
        %swap3A_320 = arith.index_cast %scan3A_220 : i32 to index
        %swap3A_321 = arith.constant 64 : index
        %swap3A_322 = tpu.vector_load %swap3A_319[%swap3A_320, %swap3A_321] {strides = array<i32>} : memref<128x256xf32, #tpu.memory_space<vmem>>, vector<1x16xf32>,
        %swap3A_323 = vector.shape_cast %swap3A_322 : vector<1x16xf32> to vector<16xf32>
        %swap3A_324 = vector.shape_cast %add3A_315 : vector<16xf32> to vector<1x16xf32>
        tpu.vector_store %swap3A_319[%swap3A_320, %swap3A_321], %swap3A_324 {strides = array<i32>} : memref<128x256xf32, #tpu.memory_space<vmem>>, vector<1x16xf32>,
        %get3A_325 = arith.constant 0 : i32
        %get3A_326 = arith.constant 0 : i32
        %get3A_327 = tpu.memref_slice %arg4[%scan3A_190, %get3A_325, %get3A_326] : memref<2x128x256xf32, #tpu.memory_space<vmem>> -> memref<1x128x256xf32, #tpu.memory_space<vmem>>
        %get3A_328 = tpu.memref_squeeze %get3A_327 : memref<1x128x256xf32, #tpu.memory_space<vmem>> -> memref<128x256xf32, #tpu.memory_space<vmem>>
        %get3A_329 = arith.index_cast %scan3A_220 : i32 to index
        %get3A_330 = arith.constant 80 : index
        %get3A_331 = tpu.vector_load %get3A_328[%get3A_329, %get3A_330] {strides = array<i32>} : memref<128x256xf32, #tpu.memory_space<vmem>>, vector<1x16xf32>,
        %get3A_332 = vector.shape_cast %get3A_331 : vector<1x16xf32> to vector<16xf32>
        %add3A_333 = arith.addf %scan3A_226, %get3A_332 : vector<16xf32>
        %swap3A_334 = arith.constant 0 : i32
        %swap3A_335 = arith.constant 0 : i32
        %swap3A_336 = tpu.memref_slice %arg5[%scan3A_191, %swap3A_334, %swap3A_335] : memref<2x128x256xf32, #tpu.memory_space<vmem>> -> memref<1x128x256xf32, #tpu.memory_space<vmem>>
        %swap3A_337 = tpu.memref_squeeze %swap3A_336 : memref<1x128x256xf32, #tpu.memory_space<vmem>> -> memref<128x256xf32, #tpu.memory_space<vmem>>
        %swap3A_338 = arith.index_cast %scan3A_220 : i32 to index
        %swap3A_339 = arith.constant 80 : index
        %swap3A_340 = tpu.vector_load %swap3A_337[%swap3A_338, %swap3A_339] {strides = array<i32>} : memref<128x256xf32, #tpu.memory_space<vmem>>, vector<1x16xf32>,
        %swap3A_341 = vector.shape_cast %swap3A_340 : vector<1x16xf32> to vector<16xf32>
        %swap3A_342 = vector.shape_cast %add3A_333 : vector<16xf32> to vector<1x16xf32>
        tpu.vector_store %swap3A_337[%swap3A_338, %swap3A_339], %swap3A_342 {strides = array<i32>} : memref<128x256xf32, #tpu.memory_space<vmem>>, vector<1x16xf32>,
        %get3A_343 = arith.constant 0 : i32
        %get3A_344 = arith.constant 0 : i32
        %get3A_345 = tpu.memref_slice %arg4[%scan3A_190, %get3A_343, %get3A_344] : memref<2x128x256xf32, #tpu.memory_space<vmem>> -> memref<1x128x256xf32, #tpu.memory_space<vmem>>
        %get3A_346 = tpu.memref_squeeze %get3A_345 : memref<1x128x256xf32, #tpu.memory_space<vmem>> -> memref<128x256xf32, #tpu.memory_space<vmem>>
        %get3A_347 = arith.index_cast %scan3A_220 : i32 to index
        %get3A_348 = arith.constant 96 : index
        %get3A_349 = tpu.vector_load %get3A_346[%get3A_347, %get3A_348] {strides = array<i32>} : memref<128x256xf32, #tpu.memory_space<vmem>>, vector<1x16xf32>,
        %get3A_350 = vector.shape_cast %get3A_349 : vector<1x16xf32> to vector<16xf32>
        %add3A_351 = arith.addf %scan3A_227, %get3A_350 : vector<16xf32>
        %swap3A_352 = arith.constant 0 : i32
        %swap3A_353 = arith.constant 0 : i32
        %swap3A_354 = tpu.memref_slice %arg5[%scan3A_191, %swap3A_352, %swap3A_353] : memref<2x128x256xf32, #tpu.memory_space<vmem>> -> memref<1x128x256xf32, #tpu.memory_space<vmem>>
        %swap3A_355 = tpu.memref_squeeze %swap3A_354 : memref<1x128x256xf32, #tpu.memory_space<vmem>> -> memref<128x256xf32, #tpu.memory_space<vmem>>
        %swap3A_356 = arith.index_cast %scan3A_220 : i32 to index
        %swap3A_357 = arith.constant 96 : index
        %swap3A_358 = tpu.vector_load %swap3A_355[%swap3A_356, %swap3A_357] {strides = array<i32>} : memref<128x256xf32, #tpu.memory_space<vmem>>, vector<1x16xf32>,
        %swap3A_359 = vector.shape_cast %swap3A_358 : vector<1x16xf32> to vector<16xf32>
        %swap3A_360 = vector.shape_cast %add3A_351 : vector<16xf32> to vector<1x16xf32>
        tpu.vector_store %swap3A_355[%swap3A_356, %swap3A_357], %swap3A_360 {strides = array<i32>} : memref<128x256xf32, #tpu.memory_space<vmem>>, vector<1x16xf32>,
        %get3A_361 = arith.constant 0 : i32
        %get3A_362 = arith.constant 0 : i32
        %get3A_363 = tpu.memref_slice %arg4[%scan3A_190, %get3A_361, %get3A_362] : memref<2x128x256xf32, #tpu.memory_space<vmem>> -> memref<1x128x256xf32, #tpu.memory_space<vmem>>
        %get3A_364 = tpu.memref_squeeze %get3A_363 : memref<1x128x256xf32, #tpu.memory_space<vmem>> -> memref<128x256xf32, #tpu.memory_space<vmem>>
        %get3A_365 = arith.index_cast %scan3A_220 : i32 to index
        %get3A_366 = arith.constant 112 : index
        %get3A_367 = tpu.vector_load %get3A_364[%get3A_365, %get3A_366] {strides = array<i32>} : memref<128x256xf32, #tpu.memory_space<vmem>>, vector<1x16xf32>,
        %get3A_368 = vector.shape_cast %get3A_367 : vector<1x16xf32> to vector<16xf32>
        %add3A_369 = arith.addf %scan3A_228, %get3A_368 : vector<16xf32>
        %swap3A_370 = arith.constant 0 : i32
        %swap3A_371 = arith.constant 0 : i32
        %swap3A_372 = tpu.memref_slice %arg5[%scan3A_191, %swap3A_370, %swap3A_371] : memref<2x128x256xf32, #tpu.memory_space<vmem>> -> memref<1x128x256xf32, #tpu.memory_space<vmem>>
        %swap3A_373 = tpu.memref_squeeze %swap3A_372 : memref<1x128x256xf32, #tpu.memory_space<vmem>> -> memref<128x256xf32, #tpu.memory_space<vmem>>
        %swap3A_374 = arith.index_cast %scan3A_220 : i32 to index
        %swap3A_375 = arith.constant 112 : index
        %swap3A_376 = tpu.vector_load %swap3A_373[%swap3A_374, %swap3A_375] {strides = array<i32>} : memref<128x256xf32, #tpu.memory_space<vmem>>, vector<1x16xf32>,
        %swap3A_377 = vector.shape_cast %swap3A_376 : vector<1x16xf32> to vector<16xf32>
        %swap3A_378 = vector.shape_cast %add3A_369 : vector<16xf32> to vector<1x16xf32>
        tpu.vector_store %swap3A_373[%swap3A_374, %swap3A_375], %swap3A_378 {strides = array<i32>} : memref<128x256xf32, #tpu.memory_space<vmem>>, vector<1x16xf32>,
        %get3A_379 = arith.constant 0 : i32
        %get3A_380 = arith.constant 0 : i32
        %get3A_381 = tpu.memref_slice %arg4[%scan3A_190, %get3A_379, %get3A_380] : memref<2x128x256xf32, #tpu.memory_space<vmem>> -> memref<1x128x256xf32, #tpu.memory_space<vmem>>
        %get3A_382 = tpu.memref_squeeze %get3A_381 : memref<1x128x256xf32, #tpu.memory_space<vmem>> -> memref<128x256xf32, #tpu.memory_space<vmem>>
        %get3A_383 = arith.index_cast %scan3A_220 : i32 to index
        %get3A_384 = arith.constant 128 : index
        %get3A_385 = tpu.vector_load %get3A_382[%get3A_383, %get3A_384] {strides = array<i32>} : memref<128x256xf32, #tpu.memory_space<vmem>>, vector<1x16xf32>,
        %get3A_386 = vector.shape_cast %get3A_385 : vector<1x16xf32> to vector<16xf32>
        %add3A_387 = arith.addf %scan3A_229, %get3A_386 : vector<16xf32>
        %swap3A_388 = arith.constant 0 : i32
        %swap3A_389 = arith.constant 0 : i32
        %swap3A_390 = tpu.memref_slice %arg5[%scan3A_191, %swap3A_388, %swap3A_389] : memref<2x128x256xf32, #tpu.memory_space<vmem>> -> memref<1x128x256xf32, #tpu.memory_space<vmem>>
        %swap3A_391 = tpu.memref_squeeze %swap3A_390 : memref<1x128x256xf32, #tpu.memory_space<vmem>> -> memref<128x256xf32, #tpu.memory_space<vmem>>
        %swap3A_392 = arith.index_cast %scan3A_220 : i32 to index
        %swap3A_393 = arith.constant 128 : index
        %swap3A_394 = tpu.vector_load %swap3A_391[%swap3A_392, %swap3A_393] {strides = array<i32>} : memref<128x256xf32, #tpu.memory_space<vmem>>, vector<1x16xf32>,
        %swap3A_395 = vector.shape_cast %swap3A_394 : vector<1x16xf32> to vector<16xf32>
        %swap3A_396 = vector.shape_cast %add3A_387 : vector<16xf32> to vector<1x16xf32>
        tpu.vector_store %swap3A_391[%swap3A_392, %swap3A_393], %swap3A_396 {strides = array<i32>} : memref<128x256xf32, #tpu.memory_space<vmem>>, vector<1x16xf32>,
        %get3A_397 = arith.constant 0 : i32
        %get3A_398 = arith.constant 0 : i32
        %get3A_399 = tpu.memref_slice %arg4[%scan3A_190, %get3A_397, %get3A_398] : memref<2x128x256xf32, #tpu.memory_space<vmem>> -> memref<1x128x256xf32, #tpu.memory_space<vmem>>
        %get3A_400 = tpu.memref_squeeze %get3A_399 : memref<1x128x256xf32, #tpu.memory_space<vmem>> -> memref<128x256xf32, #tpu.memory_space<vmem>>
        %get3A_401 = arith.index_cast %scan3A_220 : i32 to index
        %get3A_402 = arith.constant 144 : index
        %get3A_403 = tpu.vector_load %get3A_400[%get3A_401, %get3A_402] {strides = array<i32>} : memref<128x256xf32, #tpu.memory_space<vmem>>, vector<1x16xf32>,
        %get3A_404 = vector.shape_cast %get3A_403 : vector<1x16xf32> to vector<16xf32>
        %add3A_405 = arith.addf %scan3A_230, %get3A_404 : vector<16xf32>
        %swap3A_406 = arith.constant 0 : i32
        %swap3A_407 = arith.constant 0 : i32
        %swap3A_408 = tpu.memref_slice %arg5[%scan3A_191, %swap3A_406, %swap3A_407] : memref<2x128x256xf32, #tpu.memory_space<vmem>> -> memref<1x128x256xf32, #tpu.memory_space<vmem>>
        %swap3A_409 = tpu.memref_squeeze %swap3A_408 : memref<1x128x256xf32, #tpu.memory_space<vmem>> -> memref<128x256xf32, #tpu.memory_space<vmem>>
        %swap3A_410 = arith.index_cast %scan3A_220 : i32 to index
        %swap3A_411 = arith.constant 144 : index
        %swap3A_412 = tpu.vector_load %swap3A_409[%swap3A_410, %swap3A_411] {strides = array<i32>} : memref<128x256xf32, #tpu.memory_space<vmem>>, vector<1x16xf32>,
        %swap3A_413 = vector.shape_cast %swap3A_412 : vector<1x16xf32> to vector<16xf32>
        %swap3A_414 = vector.shape_cast %add3A_405 : vector<16xf32> to vector<1x16xf32>
        tpu.vector_store %swap3A_409[%swap3A_410, %swap3A_411], %swap3A_414 {strides = array<i32>} : memref<128x256xf32, #tpu.memory_space<vmem>>, vector<1x16xf32>,
        %get3A_415 = arith.constant 0 : i32
        %get3A_416 = arith.constant 0 : i32
        %get3A_417 = tpu.memref_slice %arg4[%scan3A_190, %get3A_415, %get3A_416] : memref<2x128x256xf32, #tpu.memory_space<vmem>> -> memref<1x128x256xf32, #tpu.memory_space<vmem>>
        %get3A_418 = tpu.memref_squeeze %get3A_417 : memref<1x128x256xf32, #tpu.memory_space<vmem>> -> memref<128x256xf32, #tpu.memory_space<vmem>>
        %get3A_419 = arith.index_cast %scan3A_220 : i32 to index
        %get3A_420 = arith.constant 160 : index
        %get3A_421 = tpu.vector_load %get3A_418[%get3A_419, %get3A_420] {strides = array<i32>} : memref<128x256xf32, #tpu.memory_space<vmem>>, vector<1x16xf32>,
        %get3A_422 = vector.shape_cast %get3A_421 : vector<1x16xf32> to vector<16xf32>
        %add3A_423 = arith.addf %scan3A_231, %get3A_422 : vector<16xf32>
        %swap3A_424 = arith.constant 0 : i32
        %swap3A_425 = arith.constant 0 : i32
        %swap3A_426 = tpu.memref_slice %arg5[%scan3A_191, %swap3A_424, %swap3A_425] : memref<2x128x256xf32, #tpu.memory_space<vmem>> -> memref<1x128x256xf32, #tpu.memory_space<vmem>>
        %swap3A_427 = tpu.memref_squeeze %swap3A_426 : memref<1x128x256xf32, #tpu.memory_space<vmem>> -> memref<128x256xf32, #tpu.memory_space<vmem>>
        %swap3A_428 = arith.index_cast %scan3A_220 : i32 to index
        %swap3A_429 = arith.constant 160 : index
        %swap3A_430 = tpu.vector_load %swap3A_427[%swap3A_428, %swap3A_429] {strides = array<i32>} : memref<128x256xf32, #tpu.memory_space<vmem>>, vector<1x16xf32>,
        %swap3A_431 = vector.shape_cast %swap3A_430 : vector<1x16xf32> to vector<16xf32>
        %swap3A_432 = vector.shape_cast %add3A_423 : vector<16xf32> to vector<1x16xf32>
        tpu.vector_store %swap3A_427[%swap3A_428, %swap3A_429], %swap3A_432 {strides = array<i32>} : memref<128x256xf32, #tpu.memory_space<vmem>>, vector<1x16xf32>,
        %get3A_433 = arith.constant 0 : i32
        %get3A_434 = arith.constant 0 : i32
        %get3A_435 = tpu.memref_slice %arg4[%scan3A_190, %get3A_433, %get3A_434] : memref<2x128x256xf32, #tpu.memory_space<vmem>> -> memref<1x128x256xf32, #tpu.memory_space<vmem>>
        %get3A_436 = tpu.memref_squeeze %get3A_435 : memref<1x128x256xf32, #tpu.memory_space<vmem>> -> memref<128x256xf32, #tpu.memory_space<vmem>>
        %get3A_437 = arith.index_cast %scan3A_220 : i32 to index
        %get3A_438 = arith.constant 176 : index
        %get3A_439 = tpu.vector_load %get3A_436[%get3A_437, %get3A_438] {strides = array<i32>} : memref<128x256xf32, #tpu.memory_space<vmem>>, vector<1x16xf32>,
        %get3A_440 = vector.shape_cast %get3A_439 : vector<1x16xf32> to vector<16xf32>
        %add3A_441 = arith.addf %scan3A_232, %get3A_440 : vector<16xf32>
        %swap3A_442 = arith.constant 0 : i32
        %swap3A_443 = arith.constant 0 : i32
        %swap3A_444 = tpu.memref_slice %arg5[%scan3A_191, %swap3A_442, %swap3A_443] : memref<2x128x256xf32, #tpu.memory_space<vmem>> -> memref<1x128x256xf32, #tpu.memory_space<vmem>>
        %swap3A_445 = tpu.memref_squeeze %swap3A_444 : memref<1x128x256xf32, #tpu.memory_space<vmem>> -> memref<128x256xf32, #tpu.memory_space<vmem>>
        %swap3A_446 = arith.index_cast %scan3A_220 : i32 to index
        %swap3A_447 = arith.constant 176 : index
        %swap3A_448 = tpu.vector_load %swap3A_445[%swap3A_446, %swap3A_447] {strides = array<i32>} : memref<128x256xf32, #tpu.memory_space<vmem>>, vector<1x16xf32>,
        %swap3A_449 = vector.shape_cast %swap3A_448 : vector<1x16xf32> to vector<16xf32>
        %swap3A_450 = vector.shape_cast %add3A_441 : vector<16xf32> to vector<1x16xf32>
        tpu.vector_store %swap3A_445[%swap3A_446, %swap3A_447], %swap3A_450 {strides = array<i32>} : memref<128x256xf32, #tpu.memory_space<vmem>>, vector<1x16xf32>,
        %get3A_451 = arith.constant 0 : i32
        %get3A_452 = arith.constant 0 : i32
        %get3A_453 = tpu.memref_slice %arg4[%scan3A_190, %get3A_451, %get3A_452] : memref<2x128x256xf32, #tpu.memory_space<vmem>> -> memref<1x128x256xf32, #tpu.memory_space<vmem>>
        %get3A_454 = tpu.memref_squeeze %get3A_453 : memref<1x128x256xf32, #tpu.memory_space<vmem>> -> memref<128x256xf32, #tpu.memory_space<vmem>>
        %get3A_455 = arith.index_cast %scan3A_220 : i32 to index
        %get3A_456 = arith.constant 192 : index
        %get3A_457 = tpu.vector_load %get3A_454[%get3A_455, %get3A_456] {strides = array<i32>} : memref<128x256xf32, #tpu.memory_space<vmem>>, vector<1x16xf32>,
        %get3A_458 = vector.shape_cast %get3A_457 : vector<1x16xf32> to vector<16xf32>
        %add3A_459 = arith.addf %scan3A_233, %get3A_458 : vector<16xf32>
        %swap3A_460 = arith.constant 0 : i32
        %swap3A_461 = arith.constant 0 : i32
        %swap3A_462 = tpu.memref_slice %arg5[%scan3A_191, %swap3A_460, %swap3A_461] : memref<2x128x256xf32, #tpu.memory_space<vmem>> -> memref<1x128x256xf32, #tpu.memory_space<vmem>>
        %swap3A_463 = tpu.memref_squeeze %swap3A_462 : memref<1x128x256xf32, #tpu.memory_space<vmem>> -> memref<128x256xf32, #tpu.memory_space<vmem>>
        %swap3A_464 = arith.index_cast %scan3A_220 : i32 to index
        %swap3A_465 = arith.constant 192 : index
        %swap3A_466 = tpu.vector_load %swap3A_463[%swap3A_464, %swap3A_465] {strides = array<i32>} : memref<128x256xf32, #tpu.memory_space<vmem>>, vector<1x16xf32>,
        %swap3A_467 = vector.shape_cast %swap3A_466 : vector<1x16xf32> to vector<16xf32>
        %swap3A_468 = vector.shape_cast %add3A_459 : vector<16xf32> to vector<1x16xf32>
        tpu.vector_store %swap3A_463[%swap3A_464, %swap3A_465], %swap3A_468 {strides = array<i32>} : memref<128x256xf32, #tpu.memory_space<vmem>>, vector<1x16xf32>,
        %get3A_469 = arith.constant 0 : i32
        %get3A_470 = arith.constant 0 : i32
        %get3A_471 = tpu.memref_slice %arg4[%scan3A_190, %get3A_469, %get3A_470] : memref<2x128x256xf32, #tpu.memory_space<vmem>> -> memref<1x128x256xf32, #tpu.memory_space<vmem>>
        %get3A_472 = tpu.memref_squeeze %get3A_471 : memref<1x128x256xf32, #tpu.memory_space<vmem>> -> memref<128x256xf32, #tpu.memory_space<vmem>>
        %get3A_473 = arith.index_cast %scan3A_220 : i32 to index
        %get3A_474 = arith.constant 208 : index
        %get3A_475 = tpu.vector_load %get3A_472[%get3A_473, %get3A_474] {strides = array<i32>} : memref<128x256xf32, #tpu.memory_space<vmem>>, vector<1x16xf32>,
        %get3A_476 = vector.shape_cast %get3A_475 : vector<1x16xf32> to vector<16xf32>
        %add3A_477 = arith.addf %scan3A_234, %get3A_476 : vector<16xf32>
        %swap3A_478 = arith.constant 0 : i32
        %swap3A_479 = arith.constant 0 : i32
        %swap3A_480 = tpu.memref_slice %arg5[%scan3A_191, %swap3A_478, %swap3A_479] : memref<2x128x256xf32, #tpu.memory_space<vmem>> -> memref<1x128x256xf32, #tpu.memory_space<vmem>>
        %swap3A_481 = tpu.memref_squeeze %swap3A_480 : memref<1x128x256xf32, #tpu.memory_space<vmem>> -> memref<128x256xf32, #tpu.memory_space<vmem>>
        %swap3A_482 = arith.index_cast %scan3A_220 : i32 to index
        %swap3A_483 = arith.constant 208 : index
        %swap3A_484 = tpu.vector_load %swap3A_481[%swap3A_482, %swap3A_483] {strides = array<i32>} : memref<128x256xf32, #tpu.memory_space<vmem>>, vector<1x16xf32>,
        %swap3A_485 = vector.shape_cast %swap3A_484 : vector<1x16xf32> to vector<16xf32>
        %swap3A_486 = vector.shape_cast %add3A_477 : vector<16xf32> to vector<1x16xf32>
        tpu.vector_store %swap3A_481[%swap3A_482, %swap3A_483], %swap3A_486 {strides = array<i32>} : memref<128x256xf32, #tpu.memory_space<vmem>>, vector<1x16xf32>,
        %get3A_487 = arith.constant 0 : i32
        %get3A_488 = arith.constant 0 : i32
        %get3A_489 = tpu.memref_slice %arg4[%scan3A_190, %get3A_487, %get3A_488] : memref<2x128x256xf32, #tpu.memory_space<vmem>> -> memref<1x128x256xf32, #tpu.memory_space<vmem>>
        %get3A_490 = tpu.memref_squeeze %get3A_489 : memref<1x128x256xf32, #tpu.memory_space<vmem>> -> memref<128x256xf32, #tpu.memory_space<vmem>>
        %get3A_491 = arith.index_cast %scan3A_220 : i32 to index
        %get3A_492 = arith.constant 224 : index
        %get3A_493 = tpu.vector_load %get3A_490[%get3A_491, %get3A_492] {strides = array<i32>} : memref<128x256xf32, #tpu.memory_space<vmem>>, vector<1x16xf32>,
        %get3A_494 = vector.shape_cast %get3A_493 : vector<1x16xf32> to vector<16xf32>
        %add3A_495 = arith.addf %scan3A_235, %get3A_494 : vector<16xf32>
        %swap3A_496 = arith.constant 0 : i32
        %swap3A_497 = arith.constant 0 : i32
        %swap3A_498 = tpu.memref_slice %arg5[%scan3A_191, %swap3A_496, %swap3A_497] : memref<2x128x256xf32, #tpu.memory_space<vmem>> -> memref<1x128x256xf32, #tpu.memory_space<vmem>>
        %swap3A_499 = tpu.memref_squeeze %swap3A_498 : memref<1x128x256xf32, #tpu.memory_space<vmem>> -> memref<128x256xf32, #tpu.memory_space<vmem>>
        %swap3A_500 = arith.index_cast %scan3A_220 : i32 to index
        %swap3A_501 = arith.constant 224 : index
        %swap3A_502 = tpu.vector_load %swap3A_499[%swap3A_500, %swap3A_501] {strides = array<i32>} : memref<128x256xf32, #tpu.memory_space<vmem>>, vector<1x16xf32>,
        %swap3A_503 = vector.shape_cast %swap3A_502 : vector<1x16xf32> to vector<16xf32>
        %swap3A_504 = vector.shape_cast %add3A_495 : vector<16xf32> to vector<1x16xf32>
        tpu.vector_store %swap3A_499[%swap3A_500, %swap3A_501], %swap3A_504 {strides = array<i32>} : memref<128x256xf32, #tpu.memory_space<vmem>>, vector<1x16xf32>,
        %get3A_505 = arith.constant 0 : i32
        %get3A_506 = arith.constant 0 : i32
        %get3A_507 = tpu.memref_slice %arg4[%scan3A_190, %get3A_505, %get3A_506] : memref<2x128x256xf32, #tpu.memory_space<vmem>> -> memref<1x128x256xf32, #tpu.memory_space<vmem>>
        %get3A_508 = tpu.memref_squeeze %get3A_507 : memref<1x128x256xf32, #tpu.memory_space<vmem>> -> memref<128x256xf32, #tpu.memory_space<vmem>>
        %get3A_509 = arith.index_cast %scan3A_220 : i32 to index
        %get3A_510 = arith.constant 240 : index
        %get3A_511 = tpu.vector_load %get3A_508[%get3A_509, %get3A_510] {strides = array<i32>} : memref<128x256xf32, #tpu.memory_space<vmem>>, vector<1x16xf32>,
        %get3A_512 = vector.shape_cast %get3A_511 : vector<1x16xf32> to vector<16xf32>
        %add3A_513 = arith.addf %scan3A_236, %get3A_512 : vector<16xf32>
        %swap3A_514 = arith.constant 0 : i32
        %swap3A_515 = arith.constant 0 : i32
        %swap3A_516 = tpu.memref_slice %arg5[%scan3A_191, %swap3A_514, %swap3A_515] : memref<2x128x256xf32, #tpu.memory_space<vmem>> -> memref<1x128x256xf32, #tpu.memory_space<vmem>>
        %swap3A_517 = tpu.memref_squeeze %swap3A_516 : memref<1x128x256xf32, #tpu.memory_space<vmem>> -> memref<128x256xf32, #tpu.memory_space<vmem>>
        %swap3A_518 = arith.index_cast %scan3A_220 : i32 to index
        %swap3A_519 = arith.constant 240 : index
        %swap3A_520 = tpu.vector_load %swap3A_517[%swap3A_518, %swap3A_519] {strides = array<i32>} : memref<128x256xf32, #tpu.memory_space<vmem>>, vector<1x16xf32>,
        %swap3A_521 = vector.shape_cast %swap3A_520 : vector<1x16xf32> to vector<16xf32>
        %swap3A_522 = vector.shape_cast %add3A_513 : vector<16xf32> to vector<1x16xf32>
        tpu.vector_store %swap3A_517[%swap3A_518, %swap3A_519], %swap3A_522 {strides = array<i32>} : memref<128x256xf32, #tpu.memory_space<vmem>>, vector<1x16xf32>,
        %scan3A_523 = arith.constant 1 : i32
        %scan3A_524 = arith.addi %scan3A_220, %scan3A_523 : i32
        %get3A_525 = arith.constant 0 : i32
        %get3A_526 = arith.constant 0 : i32
        %get3A_527 = tpu.memref_slice %arg4[%scan3A_190, %get3A_525, %get3A_526] : memref<2x128x256xf32, #tpu.memory_space<vmem>> -> memref<1x128x256xf32, #tpu.memory_space<vmem>>
        %get3A_528 = tpu.memref_squeeze %get3A_527 : memref<1x128x256xf32, #tpu.memory_space<vmem>> -> memref<128x256xf32, #tpu.memory_space<vmem>>
        %get3A_529 = arith.index_cast %scan3A_524 : i32 to index
        %get3A_530 = arith.constant 0 : index
        %get3A_531 = tpu.vector_load %get3A_528[%get3A_529, %get3A_530] {strides = array<i32>} : memref<128x256xf32, #tpu.memory_space<vmem>>, vector<1x16xf32>,
        %get3A_532 = vector.shape_cast %get3A_531 : vector<1x16xf32> to vector<16xf32>
        %add3A_533 = arith.addf %add3A_244, %get3A_532 : vector<16xf32>
        %swap3A_534 = arith.constant 0 : i32
        %swap3A_535 = arith.constant 0 : i32
        %swap3A_536 = tpu.memref_slice %arg5[%scan3A_191, %swap3A_534, %swap3A_535] : memref<2x128x256xf32, #tpu.memory_space<vmem>> -> memref<1x128x256xf32, #tpu.memory_space<vmem>>
        %swap3A_537 = tpu.memref_squeeze %swap3A_536 : memref<1x128x256xf32, #tpu.memory_space<vmem>> -> memref<128x256xf32, #tpu.memory_space<vmem>>
        %swap3A_538 = arith.index_cast %scan3A_524 : i32 to index
        %swap3A_539 = arith.constant 0 : index
        %swap3A_540 = tpu.vector_load %swap3A_537[%swap3A_538, %swap3A_539] {strides = array<i32>} : memref<128x256xf32, #tpu.memory_space<vmem>>, vector<1x16xf32>,
        %swap3A_541 = vector.shape_cast %swap3A_540 : vector<1x16xf32> to vector<16xf32>
        %swap3A_542 = vector.shape_cast %add3A_533 : vector<16xf32> to vector<1x16xf32>
        tpu.vector_store %swap3A_537[%swap3A_538, %swap3A_539], %swap3A_542 {strides = array<i32>} : memref<128x256xf32, #tpu.memory_space<vmem>>, vector<1x16xf32>,
        %get3A_543 = arith.constant 0 : i32
        %get3A_544 = arith.constant 0 : i32
        %get3A_545 = tpu.memref_slice %arg4[%scan3A_190, %get3A_543, %get3A_544] : memref<2x128x256xf32, #tpu.memory_space<vmem>> -> memref<1x128x256xf32, #tpu.memory_space<vmem>>
        %get3A_546 = tpu.memref_squeeze %get3A_545 : memref<1x128x256xf32, #tpu.memory_space<vmem>> -> memref<128x256xf32, #tpu.memory_space<vmem>>
        %get3A_547 = arith.index_cast %scan3A_524 : i32 to index
        %get3A_548 = arith.constant 16 : index
        %get3A_549 = tpu.vector_load %get3A_546[%get3A_547, %get3A_548] {strides = array<i32>} : memref<128x256xf32, #tpu.memory_space<vmem>>, vector<1x16xf32>,
        %get3A_550 = vector.shape_cast %get3A_549 : vector<1x16xf32> to vector<16xf32>
        %add3A_551 = arith.addf %add3A_261, %get3A_550 : vector<16xf32>
        %swap3A_552 = arith.constant 0 : i32
        %swap3A_553 = arith.constant 0 : i32
        %swap3A_554 = tpu.memref_slice %arg5[%scan3A_191, %swap3A_552, %swap3A_553] : memref<2x128x256xf32, #tpu.memory_space<vmem>> -> memref<1x128x256xf32, #tpu.memory_space<vmem>>
        %swap3A_555 = tpu.memref_squeeze %swap3A_554 : memref<1x128x256xf32, #tpu.memory_space<vmem>> -> memref<128x256xf32, #tpu.memory_space<vmem>>
        %swap3A_556 = arith.index_cast %scan3A_524 : i32 to index
        %swap3A_557 = arith.constant 16 : index
        %swap3A_558 = tpu.vector_load %swap3A_555[%swap3A_556, %swap3A_557] {strides = array<i32>} : memref<128x256xf32, #tpu.memory_space<vmem>>, vector<1x16xf32>,
        %swap3A_559 = vector.shape_cast %swap3A_558 : vector<1x16xf32> to vector<16xf32>
        %swap3A_560 = vector.shape_cast %add3A_551 : vector<16xf32> to vector<1x16xf32>
        tpu.vector_store %swap3A_555[%swap3A_556, %swap3A_557], %swap3A_560 {strides = array<i32>} : memref<128x256xf32, #tpu.memory_space<vmem>>, vector<1x16xf32>,
        %get3A_561 = arith.constant 0 : i32
        %get3A_562 = arith.constant 0 : i32
        %get3A_563 = tpu.memref_slice %arg4[%scan3A_190, %get3A_561, %get3A_562] : memref<2x128x256xf32, #tpu.memory_space<vmem>> -> memref<1x128x256xf32, #tpu.memory_space<vmem>>
        %get3A_564 = tpu.memref_squeeze %get3A_563 : memref<1x128x256xf32, #tpu.memory_space<vmem>> -> memref<128x256xf32, #tpu.memory_space<vmem>>
        %get3A_565 = arith.index_cast %scan3A_524 : i32 to index
        %get3A_566 = arith.constant 32 : index
        %get3A_567 = tpu.vector_load %get3A_564[%get3A_565, %get3A_566] {strides = array<i32>} : memref<128x256xf32, #tpu.memory_space<vmem>>, vector<1x16xf32>,
        %get3A_568 = vector.shape_cast %get3A_567 : vector<1x16xf32> to vector<16xf32>
        %add3A_569 = arith.addf %add3A_279, %get3A_568 : vector<16xf32>
        %swap3A_570 = arith.constant 0 : i32
        %swap3A_571 = arith.constant 0 : i32
        %swap3A_572 = tpu.memref_slice %arg5[%scan3A_191, %swap3A_570, %swap3A_571] : memref<2x128x256xf32, #tpu.memory_space<vmem>> -> memref<1x128x256xf32, #tpu.memory_space<vmem>>
        %swap3A_573 = tpu.memref_squeeze %swap3A_572 : memref<1x128x256xf32, #tpu.memory_space<vmem>> -> memref<128x256xf32, #tpu.memory_space<vmem>>
        %swap3A_574 = arith.index_cast %scan3A_524 : i32 to index
        %swap3A_575 = arith.constant 32 : index
        %swap3A_576 = tpu.vector_load %swap3A_573[%swap3A_574, %swap3A_575] {strides = array<i32>} : memref<128x256xf32, #tpu.memory_space<vmem>>, vector<1x16xf32>,
        %swap3A_577 = vector.shape_cast %swap3A_576 : vector<1x16xf32> to vector<16xf32>
        %swap3A_578 = vector.shape_cast %add3A_569 : vector<16xf32> to vector<1x16xf32>
        tpu.vector_store %swap3A_573[%swap3A_574, %swap3A_575], %swap3A_578 {strides = array<i32>} : memref<128x256xf32, #tpu.memory_space<vmem>>, vector<1x16xf32>,
        %get3A_579 = arith.constant 0 : i32
        %get3A_580 = arith.constant 0 : i32
        %get3A_581 = tpu.memref_slice %arg4[%scan3A_190, %get3A_579, %get3A_580] : memref<2x128x256xf32, #tpu.memory_space<vmem>> -> memref<1x128x256xf32, #tpu.memory_space<vmem>>
        %get3A_582 = tpu.memref_squeeze %get3A_581 : memref<1x128x256xf32, #tpu.memory_space<vmem>> -> memref<128x256xf32, #tpu.memory_space<vmem>>
        %get3A_583 = arith.index_cast %scan3A_524 : i32 to index
        %get3A_584 = arith.constant 48 : index
        %get3A_585 = tpu.vector_load %get3A_582[%get3A_583, %get3A_584] {strides = array<i32>} : memref<128x256xf32, #tpu.memory_space<vmem>>, vector<1x16xf32>,
        %get3A_586 = vector.shape_cast %get3A_585 : vector<1x16xf32> to vector<16xf32>
        %add3A_587 = arith.addf %add3A_297, %get3A_586 : vector<16xf32>
        %swap3A_588 = arith.constant 0 : i32
        %swap3A_589 = arith.constant 0 : i32
        %swap3A_590 = tpu.memref_slice %arg5[%scan3A_191, %swap3A_588, %swap3A_589] : memref<2x128x256xf32, #tpu.memory_space<vmem>> -> memref<1x128x256xf32, #tpu.memory_space<vmem>>
        %swap3A_591 = tpu.memref_squeeze %swap3A_590 : memref<1x128x256xf32, #tpu.memory_space<vmem>> -> memref<128x256xf32, #tpu.memory_space<vmem>>
        %swap3A_592 = arith.index_cast %scan3A_524 : i32 to index
        %swap3A_593 = arith.constant 48 : index
        %swap3A_594 = tpu.vector_load %swap3A_591[%swap3A_592, %swap3A_593] {strides = array<i32>} : memref<128x256xf32, #tpu.memory_space<vmem>>, vector<1x16xf32>,
        %swap3A_595 = vector.shape_cast %swap3A_594 : vector<1x16xf32> to vector<16xf32>
        %swap3A_596 = vector.shape_cast %add3A_587 : vector<16xf32> to vector<1x16xf32>
        tpu.vector_store %swap3A_591[%swap3A_592, %swap3A_593], %swap3A_596 {strides = array<i32>} : memref<128x256xf32, #tpu.memory_space<vmem>>, vector<1x16xf32>,
        %get3A_597 = arith.constant 0 : i32
        %get3A_598 = arith.constant 0 : i32
        %get3A_599 = tpu.memref_slice %arg4[%scan3A_190, %get3A_597, %get3A_598] : memref<2x128x256xf32, #tpu.memory_space<vmem>> -> memref<1x128x256xf32, #tpu.memory_space<vmem>>
        %get3A_600 = tpu.memref_squeeze %get3A_599 : memref<1x128x256xf32, #tpu.memory_space<vmem>> -> memref<128x256xf32, #tpu.memory_space<vmem>>
        %get3A_601 = arith.index_cast %scan3A_524 : i32 to index
        %get3A_602 = arith.constant 64 : index
        %get3A_603 = tpu.vector_load %get3A_600[%get3A_601, %get3A_602] {strides = array<i32>} : memref<128x256xf32, #tpu.memory_space<vmem>>, vector<1x16xf32>,
        %get3A_604 = vector.shape_cast %get3A_603 : vector<1x16xf32> to vector<16xf32>
        %add3A_605 = arith.addf %add3A_315, %get3A_604 : vector<16xf32>
        %swap3A_606 = arith.constant 0 : i32
        %swap3A_607 = arith.constant 0 : i32
        %swap3A_608 = tpu.memref_slice %arg5[%scan3A_191, %swap3A_606, %swap3A_607] : memref<2x128x256xf32, #tpu.memory_space<vmem>> -> memref<1x128x256xf32, #tpu.memory_space<vmem>>
        %swap3A_609 = tpu.memref_squeeze %swap3A_608 : memref<1x128x256xf32, #tpu.memory_space<vmem>> -> memref<128x256xf32, #tpu.memory_space<vmem>>
        %swap3A_610 = arith.index_cast %scan3A_524 : i32 to index
        %swap3A_611 = arith.constant 64 : index
        %swap3A_612 = tpu.vector_load %swap3A_609[%swap3A_610, %swap3A_611] {strides = array<i32>} : memref<128x256xf32, #tpu.memory_space<vmem>>, vector<1x16xf32>,
        %swap3A_613 = vector.shape_cast %swap3A_612 : vector<1x16xf32> to vector<16xf32>
        %swap3A_614 = vector.shape_cast %add3A_605 : vector<16xf32> to vector<1x16xf32>
        tpu.vector_store %swap3A_609[%swap3A_610, %swap3A_611], %swap3A_614 {strides = array<i32>} : memref<128x256xf32, #tpu.memory_space<vmem>>, vector<1x16xf32>,
        %get3A_615 = arith.constant 0 : i32
        %get3A_616 = arith.constant 0 : i32
        %get3A_617 = tpu.memref_slice %arg4[%scan3A_190, %get3A_615, %get3A_616] : memref<2x128x256xf32, #tpu.memory_space<vmem>> -> memref<1x128x256xf32, #tpu.memory_space<vmem>>
        %get3A_618 = tpu.memref_squeeze %get3A_617 : memref<1x128x256xf32, #tpu.memory_space<vmem>> -> memref<128x256xf32, #tpu.memory_space<vmem>>
        %get3A_619 = arith.index_cast %scan3A_524 : i32 to index
        %get3A_620 = arith.constant 80 : index
        %get3A_621 = tpu.vector_load %get3A_618[%get3A_619, %get3A_620] {strides = array<i32>} : memref<128x256xf32, #tpu.memory_space<vmem>>, vector<1x16xf32>,
        %get3A_622 = vector.shape_cast %get3A_621 : vector<1x16xf32> to vector<16xf32>
        %add3A_623 = arith.addf %add3A_333, %get3A_622 : vector<16xf32>
        %swap3A_624 = arith.constant 0 : i32
        %swap3A_625 = arith.constant 0 : i32
        %swap3A_626 = tpu.memref_slice %arg5[%scan3A_191, %swap3A_624, %swap3A_625] : memref<2x128x256xf32, #tpu.memory_space<vmem>> -> memref<1x128x256xf32, #tpu.memory_space<vmem>>
        %swap3A_627 = tpu.memref_squeeze %swap3A_626 : memref<1x128x256xf32, #tpu.memory_space<vmem>> -> memref<128x256xf32, #tpu.memory_space<vmem>>
        %swap3A_628 = arith.index_cast %scan3A_524 : i32 to index
        %swap3A_629 = arith.constant 80 : index
        %swap3A_630 = tpu.vector_load %swap3A_627[%swap3A_628, %swap3A_629] {strides = array<i32>} : memref<128x256xf32, #tpu.memory_space<vmem>>, vector<1x16xf32>,
        %swap3A_631 = vector.shape_cast %swap3A_630 : vector<1x16xf32> to vector<16xf32>
        %swap3A_632 = vector.shape_cast %add3A_623 : vector<16xf32> to vector<1x16xf32>
        tpu.vector_store %swap3A_627[%swap3A_628, %swap3A_629], %swap3A_632 {strides = array<i32>} : memref<128x256xf32, #tpu.memory_space<vmem>>, vector<1x16xf32>,
        %get3A_633 = arith.constant 0 : i32
        %get3A_634 = arith.constant 0 : i32
        %get3A_635 = tpu.memref_slice %arg4[%scan3A_190, %get3A_633, %get3A_634] : memref<2x128x256xf32, #tpu.memory_space<vmem>> -> memref<1x128x256xf32, #tpu.memory_space<vmem>>
        %get3A_636 = tpu.memref_squeeze %get3A_635 : memref<1x128x256xf32, #tpu.memory_space<vmem>> -> memref<128x256xf32, #tpu.memory_space<vmem>>
        %get3A_637 = arith.index_cast %scan3A_524 : i32 to index
        %get3A_638 = arith.constant 96 : index
        %get3A_639 = tpu.vector_load %get3A_636[%get3A_637, %get3A_638] {strides = array<i32>} : memref<128x256xf32, #tpu.memory_space<vmem>>, vector<1x16xf32>,
        %get3A_640 = vector.shape_cast %get3A_639 : vector<1x16xf32> to vector<16xf32>
        %add3A_641 = arith.addf %add3A_351, %get3A_640 : vector<16xf32>
        %swap3A_642 = arith.constant 0 : i32
        %swap3A_643 = arith.constant 0 : i32
        %swap3A_644 = tpu.memref_slice %arg5[%scan3A_191, %swap3A_642, %swap3A_643] : memref<2x128x256xf32, #tpu.memory_space<vmem>> -> memref<1x128x256xf32, #tpu.memory_space<vmem>>
        %swap3A_645 = tpu.memref_squeeze %swap3A_644 : memref<1x128x256xf32, #tpu.memory_space<vmem>> -> memref<128x256xf32, #tpu.memory_space<vmem>>
        %swap3A_646 = arith.index_cast %scan3A_524 : i32 to index
        %swap3A_647 = arith.constant 96 : index
        %swap3A_648 = tpu.vector_load %swap3A_645[%swap3A_646, %swap3A_647] {strides = array<i32>} : memref<128x256xf32, #tpu.memory_space<vmem>>, vector<1x16xf32>,
        %swap3A_649 = vector.shape_cast %swap3A_648 : vector<1x16xf32> to vector<16xf32>
        %swap3A_650 = vector.shape_cast %add3A_641 : vector<16xf32> to vector<1x16xf32>
        tpu.vector_store %swap3A_645[%swap3A_646, %swap3A_647], %swap3A_650 {strides = array<i32>} : memref<128x256xf32, #tpu.memory_space<vmem>>, vector<1x16xf32>,
        %get3A_651 = arith.constant 0 : i32
        %get3A_652 = arith.constant 0 : i32
        %get3A_653 = tpu.memref_slice %arg4[%scan3A_190, %get3A_651, %get3A_652] : memref<2x128x256xf32, #tpu.memory_space<vmem>> -> memref<1x128x256xf32, #tpu.memory_space<vmem>>
        %get3A_654 = tpu.memref_squeeze %get3A_653 : memref<1x128x256xf32, #tpu.memory_space<vmem>> -> memref<128x256xf32, #tpu.memory_space<vmem>>
        %get3A_655 = arith.index_cast %scan3A_524 : i32 to index
        %get3A_656 = arith.constant 112 : index
        %get3A_657 = tpu.vector_load %get3A_654[%get3A_655, %get3A_656] {strides = array<i32>} : memref<128x256xf32, #tpu.memory_space<vmem>>, vector<1x16xf32>,
        %get3A_658 = vector.shape_cast %get3A_657 : vector<1x16xf32> to vector<16xf32>
        %add3A_659 = arith.addf %add3A_369, %get3A_658 : vector<16xf32>
        %swap3A_660 = arith.constant 0 : i32
        %swap3A_661 = arith.constant 0 : i32
        %swap3A_662 = tpu.memref_slice %arg5[%scan3A_191, %swap3A_660, %swap3A_661] : memref<2x128x256xf32, #tpu.memory_space<vmem>> -> memref<1x128x256xf32, #tpu.memory_space<vmem>>
        %swap3A_663 = tpu.memref_squeeze %swap3A_662 : memref<1x128x256xf32, #tpu.memory_space<vmem>> -> memref<128x256xf32, #tpu.memory_space<vmem>>
        %swap3A_664 = arith.index_cast %scan3A_524 : i32 to index
        %swap3A_665 = arith.constant 112 : index
        %swap3A_666 = tpu.vector_load %swap3A_663[%swap3A_664, %swap3A_665] {strides = array<i32>} : memref<128x256xf32, #tpu.memory_space<vmem>>, vector<1x16xf32>,
        %swap3A_667 = vector.shape_cast %swap3A_666 : vector<1x16xf32> to vector<16xf32>
        %swap3A_668 = vector.shape_cast %add3A_659 : vector<16xf32> to vector<1x16xf32>
        tpu.vector_store %swap3A_663[%swap3A_664, %swap3A_665], %swap3A_668 {strides = array<i32>} : memref<128x256xf32, #tpu.memory_space<vmem>>, vector<1x16xf32>,
        %get3A_669 = arith.constant 0 : i32
        %get3A_670 = arith.constant 0 : i32
        %get3A_671 = tpu.memref_slice %arg4[%scan3A_190, %get3A_669, %get3A_670] : memref<2x128x256xf32, #tpu.memory_space<vmem>> -> memref<1x128x256xf32, #tpu.memory_space<vmem>>
        %get3A_672 = tpu.memref_squeeze %get3A_671 : memref<1x128x256xf32, #tpu.memory_space<vmem>> -> memref<128x256xf32, #tpu.memory_space<vmem>>
        %get3A_673 = arith.index_cast %scan3A_524 : i32 to index
        %get3A_674 = arith.constant 128 : index
        %get3A_675 = tpu.vector_load %get3A_672[%get3A_673, %get3A_674] {strides = array<i32>} : memref<128x256xf32, #tpu.memory_space<vmem>>, vector<1x16xf32>,
        %get3A_676 = vector.shape_cast %get3A_675 : vector<1x16xf32> to vector<16xf32>
        %add3A_677 = arith.addf %add3A_387, %get3A_676 : vector<16xf32>
        %swap3A_678 = arith.constant 0 : i32
        %swap3A_679 = arith.constant 0 : i32
        %swap3A_680 = tpu.memref_slice %arg5[%scan3A_191, %swap3A_678, %swap3A_679] : memref<2x128x256xf32, #tpu.memory_space<vmem>> -> memref<1x128x256xf32, #tpu.memory_space<vmem>>
        %swap3A_681 = tpu.memref_squeeze %swap3A_680 : memref<1x128x256xf32, #tpu.memory_space<vmem>> -> memref<128x256xf32, #tpu.memory_space<vmem>>
        %swap3A_682 = arith.index_cast %scan3A_524 : i32 to index
        %swap3A_683 = arith.constant 128 : index
        %swap3A_684 = tpu.vector_load %swap3A_681[%swap3A_682, %swap3A_683] {strides = array<i32>} : memref<128x256xf32, #tpu.memory_space<vmem>>, vector<1x16xf32>,
        %swap3A_685 = vector.shape_cast %swap3A_684 : vector<1x16xf32> to vector<16xf32>
        %swap3A_686 = vector.shape_cast %add3A_677 : vector<16xf32> to vector<1x16xf32>
        tpu.vector_store %swap3A_681[%swap3A_682, %swap3A_683], %swap3A_686 {strides = array<i32>} : memref<128x256xf32, #tpu.memory_space<vmem>>, vector<1x16xf32>,
        %get3A_687 = arith.constant 0 : i32
        %get3A_688 = arith.constant 0 : i32
        %get3A_689 = tpu.memref_slice %arg4[%scan3A_190, %get3A_687, %get3A_688] : memref<2x128x256xf32, #tpu.memory_space<vmem>> -> memref<1x128x256xf32, #tpu.memory_space<vmem>>
        %get3A_690 = tpu.memref_squeeze %get3A_689 : memref<1x128x256xf32, #tpu.memory_space<vmem>> -> memref<128x256xf32, #tpu.memory_space<vmem>>
        %get3A_691 = arith.index_cast %scan3A_524 : i32 to index
        %get3A_692 = arith.constant 144 : index
        %get3A_693 = tpu.vector_load %get3A_690[%get3A_691, %get3A_692] {strides = array<i32>} : memref<128x256xf32, #tpu.memory_space<vmem>>, vector<1x16xf32>,
        %get3A_694 = vector.shape_cast %get3A_693 : vector<1x16xf32> to vector<16xf32>
        %add3A_695 = arith.addf %add3A_405, %get3A_694 : vector<16xf32>
        %swap3A_696 = arith.constant 0 : i32
        %swap3A_697 = arith.constant 0 : i32
        %swap3A_698 = tpu.memref_slice %arg5[%scan3A_191, %swap3A_696, %swap3A_697] : memref<2x128x256xf32, #tpu.memory_space<vmem>> -> memref<1x128x256xf32, #tpu.memory_space<vmem>>
        %swap3A_699 = tpu.memref_squeeze %swap3A_698 : memref<1x128x256xf32, #tpu.memory_space<vmem>> -> memref<128x256xf32, #tpu.memory_space<vmem>>
        %swap3A_700 = arith.index_cast %scan3A_524 : i32 to index
        %swap3A_701 = arith.constant 144 : index
        %swap3A_702 = tpu.vector_load %swap3A_699[%swap3A_700, %swap3A_701] {strides = array<i32>} : memref<128x256xf32, #tpu.memory_space<vmem>>, vector<1x16xf32>,
        %swap3A_703 = vector.shape_cast %swap3A_702 : vector<1x16xf32> to vector<16xf32>
        %swap3A_704 = vector.shape_cast %add3A_695 : vector<16xf32> to vector<1x16xf32>
        tpu.vector_store %swap3A_699[%swap3A_700, %swap3A_701], %swap3A_704 {strides = array<i32>} : memref<128x256xf32, #tpu.memory_space<vmem>>, vector<1x16xf32>,
        %get3A_705 = arith.constant 0 : i32
        %get3A_706 = arith.constant 0 : i32
        %get3A_707 = tpu.memref_slice %arg4[%scan3A_190, %get3A_705, %get3A_706] : memref<2x128x256xf32, #tpu.memory_space<vmem>> -> memref<1x128x256xf32, #tpu.memory_space<vmem>>
        %get3A_708 = tpu.memref_squeeze %get3A_707 : memref<1x128x256xf32, #tpu.memory_space<vmem>> -> memref<128x256xf32, #tpu.memory_space<vmem>>
        %get3A_709 = arith.index_cast %scan3A_524 : i32 to index
        %get3A_710 = arith.constant 160 : index
        %get3A_711 = tpu.vector_load %get3A_708[%get3A_709, %get3A_710] {strides = array<i32>} : memref<128x256xf32, #tpu.memory_space<vmem>>, vector<1x16xf32>,
        %get3A_712 = vector.shape_cast %get3A_711 : vector<1x16xf32> to vector<16xf32>
        %add3A_713 = arith.addf %add3A_423, %get3A_712 : vector<16xf32>
        %swap3A_714 = arith.constant 0 : i32
        %swap3A_715 = arith.constant 0 : i32
        %swap3A_716 = tpu.memref_slice %arg5[%scan3A_191, %swap3A_714, %swap3A_715] : memref<2x128x256xf32, #tpu.memory_space<vmem>> -> memref<1x128x256xf32, #tpu.memory_space<vmem>>
        %swap3A_717 = tpu.memref_squeeze %swap3A_716 : memref<1x128x256xf32, #tpu.memory_space<vmem>> -> memref<128x256xf32, #tpu.memory_space<vmem>>
        %swap3A_718 = arith.index_cast %scan3A_524 : i32 to index
        %swap3A_719 = arith.constant 160 : index
        %swap3A_720 = tpu.vector_load %swap3A_717[%swap3A_718, %swap3A_719] {strides = array<i32>} : memref<128x256xf32, #tpu.memory_space<vmem>>, vector<1x16xf32>,
        %swap3A_721 = vector.shape_cast %swap3A_720 : vector<1x16xf32> to vector<16xf32>
        %swap3A_722 = vector.shape_cast %add3A_713 : vector<16xf32> to vector<1x16xf32>
        tpu.vector_store %swap3A_717[%swap3A_718, %swap3A_719], %swap3A_722 {strides = array<i32>} : memref<128x256xf32, #tpu.memory_space<vmem>>, vector<1x16xf32>,
        %get3A_723 = arith.constant 0 : i32
        %get3A_724 = arith.constant 0 : i32
        %get3A_725 = tpu.memref_slice %arg4[%scan3A_190, %get3A_723, %get3A_724] : memref<2x128x256xf32, #tpu.memory_space<vmem>> -> memref<1x128x256xf32, #tpu.memory_space<vmem>>
        %get3A_726 = tpu.memref_squeeze %get3A_725 : memref<1x128x256xf32, #tpu.memory_space<vmem>> -> memref<128x256xf32, #tpu.memory_space<vmem>>
        %get3A_727 = arith.index_cast %scan3A_524 : i32 to index
        %get3A_728 = arith.constant 176 : index
        %get3A_729 = tpu.vector_load %get3A_726[%get3A_727, %get3A_728] {strides = array<i32>} : memref<128x256xf32, #tpu.memory_space<vmem>>, vector<1x16xf32>,
        %get3A_730 = vector.shape_cast %get3A_729 : vector<1x16xf32> to vector<16xf32>
        %add3A_731 = arith.addf %add3A_441, %get3A_730 : vector<16xf32>
        %swap3A_732 = arith.constant 0 : i32
        %swap3A_733 = arith.constant 0 : i32
        %swap3A_734 = tpu.memref_slice %arg5[%scan3A_191, %swap3A_732, %swap3A_733] : memref<2x128x256xf32, #tpu.memory_space<vmem>> -> memref<1x128x256xf32, #tpu.memory_space<vmem>>
        %swap3A_735 = tpu.memref_squeeze %swap3A_734 : memref<1x128x256xf32, #tpu.memory_space<vmem>> -> memref<128x256xf32, #tpu.memory_space<vmem>>
        %swap3A_736 = arith.index_cast %scan3A_524 : i32 to index
        %swap3A_737 = arith.constant 176 : index
        %swap3A_738 = tpu.vector_load %swap3A_735[%swap3A_736, %swap3A_737] {strides = array<i32>} : memref<128x256xf32, #tpu.memory_space<vmem>>, vector<1x16xf32>,
        %swap3A_739 = vector.shape_cast %swap3A_738 : vector<1x16xf32> to vector<16xf32>
        %swap3A_740 = vector.shape_cast %add3A_731 : vector<16xf32> to vector<1x16xf32>
        tpu.vector_store %swap3A_735[%swap3A_736, %swap3A_737], %swap3A_740 {strides = array<i32>} : memref<128x256xf32, #tpu.memory_space<vmem>>, vector<1x16xf32>,
        %get3A_741 = arith.constant 0 : i32
        %get3A_742 = arith.constant 0 : i32
        %get3A_743 = tpu.memref_slice %arg4[%scan3A_190, %get3A_741, %get3A_742] : memref<2x128x256xf32, #tpu.memory_space<vmem>> -> memref<1x128x256xf32, #tpu.memory_space<vmem>>
        %get3A_744 = tpu.memref_squeeze %get3A_743 : memref<1x128x256xf32, #tpu.memory_space<vmem>> -> memref<128x256xf32, #tpu.memory_space<vmem>>
        %get3A_745 = arith.index_cast %scan3A_524 : i32 to index
        %get3A_746 = arith.constant 192 : index
        %get3A_747 = tpu.vector_load %get3A_744[%get3A_745, %get3A_746] {strides = array<i32>} : memref<128x256xf32, #tpu.memory_space<vmem>>, vector<1x16xf32>,
        %get3A_748 = vector.shape_cast %get3A_747 : vector<1x16xf32> to vector<16xf32>
        %add3A_749 = arith.addf %add3A_459, %get3A_748 : vector<16xf32>
        %swap3A_750 = arith.constant 0 : i32
        %swap3A_751 = arith.constant 0 : i32
        %swap3A_752 = tpu.memref_slice %arg5[%scan3A_191, %swap3A_750, %swap3A_751] : memref<2x128x256xf32, #tpu.memory_space<vmem>> -> memref<1x128x256xf32, #tpu.memory_space<vmem>>
        %swap3A_753 = tpu.memref_squeeze %swap3A_752 : memref<1x128x256xf32, #tpu.memory_space<vmem>> -> memref<128x256xf32, #tpu.memory_space<vmem>>
        %swap3A_754 = arith.index_cast %scan3A_524 : i32 to index
        %swap3A_755 = arith.constant 192 : index
        %swap3A_756 = tpu.vector_load %swap3A_753[%swap3A_754, %swap3A_755] {strides = array<i32>} : memref<128x256xf32, #tpu.memory_space<vmem>>, vector<1x16xf32>,
        %swap3A_757 = vector.shape_cast %swap3A_756 : vector<1x16xf32> to vector<16xf32>
        %swap3A_758 = vector.shape_cast %add3A_749 : vector<16xf32> to vector<1x16xf32>
        tpu.vector_store %swap3A_753[%swap3A_754, %swap3A_755], %swap3A_758 {strides = array<i32>} : memref<128x256xf32, #tpu.memory_space<vmem>>, vector<1x16xf32>,
        %get3A_759 = arith.constant 0 : i32
        %get3A_760 = arith.constant 0 : i32
        %get3A_761 = tpu.memref_slice %arg4[%scan3A_190, %get3A_759, %get3A_760] : memref<2x128x256xf32, #tpu.memory_space<vmem>> -> memref<1x128x256xf32, #tpu.memory_space<vmem>>
        %get3A_762 = tpu.memref_squeeze %get3A_761 : memref<1x128x256xf32, #tpu.memory_space<vmem>> -> memref<128x256xf32, #tpu.memory_space<vmem>>
        %get3A_763 = arith.index_cast %scan3A_524 : i32 to index
        %get3A_764 = arith.constant 208 : index
        %get3A_765 = tpu.vector_load %get3A_762[%get3A_763, %get3A_764] {strides = array<i32>} : memref<128x256xf32, #tpu.memory_space<vmem>>, vector<1x16xf32>,
        %get3A_766 = vector.shape_cast %get3A_765 : vector<1x16xf32> to vector<16xf32>
        %add3A_767 = arith.addf %add3A_477, %get3A_766 : vector<16xf32>
        %swap3A_768 = arith.constant 0 : i32
        %swap3A_769 = arith.constant 0 : i32
        %swap3A_770 = tpu.memref_slice %arg5[%scan3A_191, %swap3A_768, %swap3A_769] : memref<2x128x256xf32, #tpu.memory_space<vmem>> -> memref<1x128x256xf32, #tpu.memory_space<vmem>>
        %swap3A_771 = tpu.memref_squeeze %swap3A_770 : memref<1x128x256xf32, #tpu.memory_space<vmem>> -> memref<128x256xf32, #tpu.memory_space<vmem>>
        %swap3A_772 = arith.index_cast %scan3A_524 : i32 to index
        %swap3A_773 = arith.constant 208 : index
        %swap3A_774 = tpu.vector_load %swap3A_771[%swap3A_772, %swap3A_773] {strides = array<i32>} : memref<128x256xf32, #tpu.memory_space<vmem>>, vector<1x16xf32>,
        %swap3A_775 = vector.shape_cast %swap3A_774 : vector<1x16xf32> to vector<16xf32>
        %swap3A_776 = vector.shape_cast %add3A_767 : vector<16xf32> to vector<1x16xf32>
        tpu.vector_store %swap3A_771[%swap3A_772, %swap3A_773], %swap3A_776 {strides = array<i32>} : memref<128x256xf32, #tpu.memory_space<vmem>>, vector<1x16xf32>,
        %get3A_777 = arith.constant 0 : i32
        %get3A_778 = arith.constant 0 : i32
        %get3A_779 = tpu.memref_slice %arg4[%scan3A_190, %get3A_777, %get3A_778] : memref<2x128x256xf32, #tpu.memory_space<vmem>> -> memref<1x128x256xf32, #tpu.memory_space<vmem>>
        %get3A_780 = tpu.memref_squeeze %get3A_779 : memref<1x128x256xf32, #tpu.memory_space<vmem>> -> memref<128x256xf32, #tpu.memory_space<vmem>>
        %get3A_781 = arith.index_cast %scan3A_524 : i32 to index
        %get3A_782 = arith.constant 224 : index
        %get3A_783 = tpu.vector_load %get3A_780[%get3A_781, %get3A_782] {strides = array<i32>} : memref<128x256xf32, #tpu.memory_space<vmem>>, vector<1x16xf32>,
        %get3A_784 = vector.shape_cast %get3A_783 : vector<1x16xf32> to vector<16xf32>
        %add3A_785 = arith.addf %add3A_495, %get3A_784 : vector<16xf32>
        %swap3A_786 = arith.constant 0 : i32
        %swap3A_787 = arith.constant 0 : i32
        %swap3A_788 = tpu.memref_slice %arg5[%scan3A_191, %swap3A_786, %swap3A_787] : memref<2x128x256xf32, #tpu.memory_space<vmem>> -> memref<1x128x256xf32, #tpu.memory_space<vmem>>
        %swap3A_789 = tpu.memref_squeeze %swap3A_788 : memref<1x128x256xf32, #tpu.memory_space<vmem>> -> memref<128x256xf32, #tpu.memory_space<vmem>>
        %swap3A_790 = arith.index_cast %scan3A_524 : i32 to index
        %swap3A_791 = arith.constant 224 : index
        %swap3A_792 = tpu.vector_load %swap3A_789[%swap3A_790, %swap3A_791] {strides = array<i32>} : memref<128x256xf32, #tpu.memory_space<vmem>>, vector<1x16xf32>,
        %swap3A_793 = vector.shape_cast %swap3A_792 : vector<1x16xf32> to vector<16xf32>
        %swap3A_794 = vector.shape_cast %add3A_785 : vector<16xf32> to vector<1x16xf32>
        tpu.vector_store %swap3A_789[%swap3A_790, %swap3A_791], %swap3A_794 {strides = array<i32>} : memref<128x256xf32, #tpu.memory_space<vmem>>, vector<1x16xf32>,
        %get3A_795 = arith.constant 0 : i32
        %get3A_796 = arith.constant 0 : i32
        %get3A_797 = tpu.memref_slice %arg4[%scan3A_190, %get3A_795, %get3A_796] : memref<2x128x256xf32, #tpu.memory_space<vmem>> -> memref<1x128x256xf32, #tpu.memory_space<vmem>>
        %get3A_798 = tpu.memref_squeeze %get3A_797 : memref<1x128x256xf32, #tpu.memory_space<vmem>> -> memref<128x256xf32, #tpu.memory_space<vmem>>
        %get3A_799 = arith.index_cast %scan3A_524 : i32 to index
        %get3A_800 = arith.constant 240 : index
        %get3A_801 = tpu.vector_load %get3A_798[%get3A_799, %get3A_800] {strides = array<i32>} : memref<128x256xf32, #tpu.memory_space<vmem>>, vector<1x16xf32>,
        %get3A_802 = vector.shape_cast %get3A_801 : vector<1x16xf32> to vector<16xf32>
        %add3A_803 = arith.addf %add3A_513, %get3A_802 : vector<16xf32>
        %swap3A_804 = arith.constant 0 : i32
        %swap3A_805 = arith.constant 0 : i32
        %swap3A_806 = tpu.memref_slice %arg5[%scan3A_191, %swap3A_804, %swap3A_805] : memref<2x128x256xf32, #tpu.memory_space<vmem>> -> memref<1x128x256xf32, #tpu.memory_space<vmem>>
        %swap3A_807 = tpu.memref_squeeze %swap3A_806 : memref<1x128x256xf32, #tpu.memory_space<vmem>> -> memref<128x256xf32, #tpu.memory_space<vmem>>
        %swap3A_808 = arith.index_cast %scan3A_524 : i32 to index
        %swap3A_809 = arith.constant 240 : index
        %swap3A_810 = tpu.vector_load %swap3A_807[%swap3A_808, %swap3A_809] {strides = array<i32>} : memref<128x256xf32, #tpu.memory_space<vmem>>, vector<1x16xf32>,
        %swap3A_811 = vector.shape_cast %swap3A_810 : vector<1x16xf32> to vector<16xf32>
        %swap3A_812 = vector.shape_cast %add3A_803 : vector<16xf32> to vector<1x16xf32>
        tpu.vector_store %swap3A_807[%swap3A_808, %swap3A_809], %swap3A_812 {strides = array<i32>} : memref<128x256xf32, #tpu.memory_space<vmem>>, vector<1x16xf32>,
        scf.yield %add3A_533, %add3A_551, %add3A_569, %add3A_587, %add3A_605, %add3A_623, %add3A_641, %add3A_659, %add3A_677, %add3A_695, %add3A_713, %add3A_731, %add3A_749, %add3A_767, %add3A_785, %add3A_803 : vector<16xf32>, vector<16xf32>, vector<16xf32>, vector<16xf32>, vector<16xf32>, vector<16xf32>, vector<16xf32>, vector<16xf32>, vector<16xf32>, vector<16xf32>, vector<16xf32>, vector<16xf32>, vector<16xf32>, vector<16xf32>, vector<16xf32>, vector<16xf32>
      }
      %scan3A_197 = arith.constant 128 : i32
      %barrier3A_198 = arith.constant 0 : index
      tpu.barrier barrier_id(%barrier3A_198)
      %mul3A_199 = arith.constant 128 : i32
      %mul3A_200 = arith.muli %add3A_168, %mul3A_199 : i32
      %dma_start3A_201 = arith.constant 1 : i32
      %dma_start3A_202 = arith.constant 0 : i32
      %dma_start3A_203 = arith.constant 0 : i32
      %dma_start3A_204 = tpu.memref_slice %arg5[%dma_start3A_201, %dma_start3A_202, %dma_start3A_203] : memref<2x128x256xf32, #tpu.memory_space<vmem>> -> memref<1x128x256xf32, #tpu.memory_space<vmem>>
      %dma_start3A_205 = tpu.memref_squeeze %dma_start3A_204 : memref<1x128x256xf32, #tpu.memory_space<vmem>> -> memref<128x256xf32, #tpu.memory_space<vmem>>
      %dma_start3A_206 = tpu.memref_slice %arg3[%select_n3A, %mul3A_200, %mul3A_32] : memref<2x4096x4096xf32, #tpu.memory_space<hbm>> -> memref<1x128x256xf32, #tpu.memory_space<hbm>>
      %dma_start3A_207 = tpu.memref_squeeze %dma_start3A_206 : memref<1x128x256xf32, #tpu.memory_space<hbm>> -> memref<128x256xf32, #tpu.memory_space<hbm>>
      %dma_start3A_208 = tpu.memref_slice %arg3[%select_n3A, %mul3A_200, %mul3A_32] : memref<2x4096x4096xf32, #tpu.memory_space<hbm>> -> memref<1x128x256xf32, #tpu.memory_space<hbm>>
      %dma_start3A_209 = tpu.memref_squeeze %dma_start3A_208 : memref<1x128x256xf32, #tpu.memory_space<hbm>> -> memref<128x256xf32, #tpu.memory_space<hbm>>
      %dma_start3A_210 = arith.constant 0 : i32
      %dma_start3A_211 = arith.constant 0 : i32
      %dma_start3A_212 = tpu.memref_slice %arg5[%dma_start3A_201, %dma_start3A_210, %dma_start3A_211] : memref<2x128x256xf32, #tpu.memory_space<vmem>> -> memref<1x128x256xf32, #tpu.memory_space<vmem>>
      %dma_start3A_213 = tpu.memref_squeeze %dma_start3A_212 : memref<1x128x256xf32, #tpu.memory_space<vmem>> -> memref<128x256xf32, #tpu.memory_space<vmem>>
      tpu.enqueue_dma source(%dma_start3A_213 : memref<128x256xf32, #tpu.memory_space<vmem>>) target(%dma_start3A_209 : memref<128x256xf32, #tpu.memory_space<hbm>>) target_semaphore(%arg9 : memref<!tpu.dma_semaphore, #tpu.memory_space<semaphore_mem>>)
      %lt3A_214 = arith.constant 15 : i32
      %lt3A_215 = arith.cmpi slt, %scan3A_97, %lt3A_214 : i32
      %convert_element_type3A_216 = arith.extui %lt3A_215 : i1 to i32
      %cond3A_217 = arith.constant 1 : i32
      %cond3A_218 = arith.constant 0 : i32
      %cond3A_219 = arith.cmpi ne, %convert_element_type3A_216, %cond3A_218 : i32
      scf.if %cond3A_219 {
        %add3A_220 = arith.constant 2 : i32
        %add3A_221 = arith.addi %add3A_168, %add3A_220 : i32
        %mul3A_222 = arith.constant 128 : i32
        %mul3A_223 = arith.muli %add3A_221, %mul3A_222 : i32
        %dma_start3A_224 = arith.constant 0 : i32
        %dma_start3A_225 = arith.constant 0 : i32
        %dma_start3A_226 = tpu.memref_slice %arg4[%cond3A_217, %dma_start3A_224, %dma_start3A_225] : memref<2x128x256xf32, #tpu.memory_space<vmem>> -> memref<1x128x256xf32, #tpu.memory_space<vmem>>
        %dma_start3A_227 = tpu.memref_squeeze %dma_start3A_226 : memref<1x128x256xf32, #tpu.memory_space<vmem>> -> memref<128x256xf32, #tpu.memory_space<vmem>>
        %dma_start3A_228 = tpu.memref_slice %arg2[%select_n3A, %mul3A_223, %mul3A_32] : memref<2x4096x4096xf32, #tpu.memory_space<hbm>> -> memref<1x128x256xf32, #tpu.memory_space<hbm>>
        %dma_start3A_229 = tpu.memref_squeeze %dma_start3A_228 : memref<1x128x256xf32, #tpu.memory_space<hbm>> -> memref<128x256xf32, #tpu.memory_space<hbm>>
        %dma_start3A_230 = arith.constant 0 : i32
        %dma_start3A_231 = arith.constant 0 : i32
        %dma_start3A_232 = tpu.memref_slice %arg4[%cond3A_217, %dma_start3A_230, %dma_start3A_231] : memref<2x128x256xf32, #tpu.memory_space<vmem>> -> memref<1x128x256xf32, #tpu.memory_space<vmem>>
        %dma_start3A_233 = tpu.memref_squeeze %dma_start3A_232 : memref<1x128x256xf32, #tpu.memory_space<vmem>> -> memref<128x256xf32, #tpu.memory_space<vmem>>
        %dma_start3A_234 = tpu.memref_slice %arg2[%select_n3A, %mul3A_223, %mul3A_32] : memref<2x4096x4096xf32, #tpu.memory_space<hbm>> -> memref<1x128x256xf32, #tpu.memory_space<hbm>>
        %dma_start3A_235 = tpu.memref_squeeze %dma_start3A_234 : memref<1x128x256xf32, #tpu.memory_space<hbm>> -> memref<128x256xf32, #tpu.memory_space<hbm>>
        tpu.enqueue_dma source(%dma_start3A_235 : memref<128x256xf32, #tpu.memory_space<hbm>>) target(%dma_start3A_233 : memref<128x256xf32, #tpu.memory_space<vmem>>) target_semaphore(%arg7 : memref<!tpu.dma_semaphore, #tpu.memory_space<semaphore_mem>>)
      } else {
      }
      scf.yield %scan3A_196#0, %scan3A_196#1, %scan3A_196#2, %scan3A_196#3, %scan3A_196#4, %scan3A_196#5, %scan3A_196#6, %scan3A_196#7, %scan3A_196#8, %scan3A_196#9, %scan3A_196#10, %scan3A_196#11, %scan3A_196#12, %scan3A_196#13, %scan3A_196#14, %scan3A_196#15 : vector<16xf32>, vector<16xf32>, vector<16xf32>, vector<16xf32>, vector<16xf32>, vector<16xf32>, vector<16xf32>, vector<16xf32>, vector<16xf32>, vector<16xf32>, vector<16xf32>, vector<16xf32>, vector<16xf32>, vector<16xf32>, vector<16xf32>, vector<16xf32>
    }
    %scan3A_67 = arith.constant 16 : i32
    %dma_wait3A = arith.constant 0 : i32
    %dma_wait3A_68 = arith.constant 0 : i32
    %dma_wait3A_69 = arith.constant 0 : i32
    %dma_wait3A_70 = tpu.memref_slice %arg5[%dma_wait3A, %dma_wait3A_68, %dma_wait3A_69] : memref<2x128x256xf32, #tpu.memory_space<vmem>> -> memref<1x128x256xf32, #tpu.memory_space<vmem>>
    %dma_wait3A_71 = tpu.memref_squeeze %dma_wait3A_70 : memref<1x128x256xf32, #tpu.memory_space<vmem>> -> memref<128x256xf32, #tpu.memory_space<vmem>>
    %dma_wait3A_72 = arith.constant 3840 : i32
    %dma_wait3A_73 = tpu.memref_slice %arg3[%select_n3A, %dma_wait3A_72, %mul3A_32] : memref<2x4096x4096xf32, #tpu.memory_space<hbm>> -> memref<1x128x256xf32, #tpu.memory_space<hbm>>
    %dma_wait3A_74 = tpu.memref_squeeze %dma_wait3A_73 : memref<1x128x256xf32, #tpu.memory_space<hbm>> -> memref<128x256xf32, #tpu.memory_space<hbm>>
    %dma_wait3A_75 = arith.constant 3840 : i32
    %dma_wait3A_76 = tpu.memref_slice %arg3[%select_n3A, %dma_wait3A_75, %mul3A_32] : memref<2x4096x4096xf32, #tpu.memory_space<hbm>> -> memref<1x128x256xf32, #tpu.memory_space<hbm>>
    %dma_wait3A_77 = tpu.memref_squeeze %dma_wait3A_76 : memref<1x128x256xf32, #tpu.memory_space<hbm>> -> memref<128x256xf32, #tpu.memory_space<hbm>>
    %dma_wait3A_78 = arith.constant 0 : i32
    %dma_wait3A_79 = arith.constant 0 : i32
    %dma_wait3A_80 = tpu.memref_slice %arg5[%dma_wait3A, %dma_wait3A_78, %dma_wait3A_79] : memref<2x128x256xf32, #tpu.memory_space<vmem>> -> memref<1x128x256xf32, #tpu.memory_space<vmem>>
    %dma_wait3A_81 = tpu.memref_squeeze %dma_wait3A_80 : memref<1x128x256xf32, #tpu.memory_space<vmem>> -> memref<128x256xf32, #tpu.memory_space<vmem>>
    tpu.wait_dma2 semaphore(%arg8 : memref<!tpu.dma_semaphore, #tpu.memory_space<semaphore_mem>>) src(%dma_wait3A_81 : memref<128x256xf32, #tpu.memory_space<vmem>>) dst(%dma_wait3A_77 : memref<128x256xf32, #tpu.memory_space<hbm>>)
    %dma_wait3A_82 = arith.constant 1 : i32
    %dma_wait3A_83 = arith.constant 0 : i32
    %dma_wait3A_84 = arith.constant 0 : i32
    %dma_wait3A_85 = tpu.memref_slice %arg5[%dma_wait3A_82, %dma_wait3A_83, %dma_wait3A_84] : memref<2x128x256xf32, #tpu.memory_space<vmem>> -> memref<1x128x256xf32, #tpu.memory_space<vmem>>
    %dma_wait3A_86 = tpu.memref_squeeze %dma_wait3A_85 : memref<1x128x256xf32, #tpu.memory_space<vmem>> -> memref<128x256xf32, #tpu.memory_space<vmem>>
    %dma_wait3A_87 = arith.constant 3968 : i32
    %dma_wait3A_88 = tpu.memref_slice %arg3[%select_n3A, %dma_wait3A_87, %mul3A_32] : memref<2x4096x4096xf32, #tpu.memory_space<hbm>> -> memref<1x128x256xf32, #tpu.memory_space<hbm>>
    %dma_wait3A_89 = tpu.memref_squeeze %dma_wait3A_88 : memref<1x128x256xf32, #tpu.memory_space<hbm>> -> memref<128x256xf32, #tpu.memory_space<hbm>>
    %dma_wait3A_90 = arith.constant 3968 : i32
    %dma_wait3A_91 = tpu.memref_slice %arg3[%select_n3A, %dma_wait3A_90, %mul3A_32] : memref<2x4096x4096xf32, #tpu.memory_space<hbm>> -> memref<1x128x256xf32, #tpu.memory_space<hbm>>
    %dma_wait3A_92 = tpu.memref_squeeze %dma_wait3A_91 : memref<1x128x256xf32, #tpu.memory_space<hbm>> -> memref<128x256xf32, #tpu.memory_space<hbm>>
    %dma_wait3A_93 = arith.constant 0 : i32
    %dma_wait3A_94 = arith.constant 0 : i32
    %dma_wait3A_95 = tpu.memref_slice %arg5[%dma_wait3A_82, %dma_wait3A_93, %dma_wait3A_94] : memref<2x128x256xf32, #tpu.memory_space<vmem>> -> memref<1x128x256xf32, #tpu.memory_space<vmem>>
    %dma_wait3A_96 = tpu.memref_squeeze %dma_wait3A_95 : memref<1x128x256xf32, #tpu.memory_space<vmem>> -> memref<128x256xf32, #tpu.memory_space<vmem>>
    tpu.wait_dma2 semaphore(%arg9 : memref<!tpu.dma_semaphore, #tpu.memory_space<semaphore_mem>>) src(%dma_wait3A_96 : memref<128x256xf32, #tpu.memory_space<vmem>>) dst(%dma_wait3A_92 : memref<128x256xf32, #tpu.memory_space<hbm>>)
    return
  }
}

</mosaic_0001>

<sc_bundles>
// kernel: kernel.3.cloned.1.call-start
scs
__scs_entry_jumppad:
0x0: {  	(pc) =	sbr.rel $0x88, $3  }
0x1: {  	(tag) =	ssettag $0x0;
	lr =	simm.s32 $0x1  }
0x2: {  	[smem:$0x3FA0] =	sst lr;
	_ =	strace $0xD0000000  }
0x3: {  	_ = 	snop  }
0x4: {  	_ = 	snop  }
0x5: {  	_ = 	snop  }
0x6: {  	_ = 	snop  }
0x7: {  	_ = 	snop  }
__scs_overlays_trampoline_lowered:
0x8: {  	[smem:$0x3FAF] =	sst s0  }
0x9: {  	[smem:$0x3FB0] =	sst s1  }
0xa: {  	[smem:$0x3FB1] =	sst s2  }
0xb: {  	[smem:$0x3FB2] =	sst s3  }
0xc: {  	[smem:$0x3FB3] =	sst s4  }
0xd: {  	[smem:$0x3FB4] =	sst s5  }
0xe: {  	[smem:$0x3FB5] =	sst s6  }
0xf: {  	[smem:$0x3FB6] =	sst s7  }
0x10: {  	[smem:$0x3FB7] =	sst s8  }
0x11: {  	[smem:$0x3FB8] =	sst s9;
	s0 =	simm.s32 @!p0 $0x0  }
0x12: {  	s1 =	sld [smem:$0x3F9E];
	s0 =	simm.s32 @p0 $0x1  }
0x13: {  	[smem:$0x3FB9] =	sst s0;
	s0 =	simm.s32 @!p1 $0x0  }
0x14: {  	s2 =	sld [smem:$0x3F9D];
	s0 =	simm.s32 @p1 $0x1  }
0x15: {  	[smem:$0x3FBA] =	sst s0;
	s0 =	simm.s32 @!p2 $0x0  }
0x16: {  	s3 =	sld [smem:$0x3FDB];
	s0 =	simm.s32 @p2 $0x1  }
0x17: {  	s4 =	simm.s32 $0x1BF5;
	[smem:$0x3FBC] =	sst s0  }
0x18: {  	s0 =	sld [smem:$0x3F9F];
	_ =	swait.ge [sflag:s4], $0x0  }
0x19: {  	s7 =	sld [smem:$0x3FA0]  }
0x1a: {  	s8 =	sadd.s32 $0xFFFFE003, lr  }
0x1b: {  	s9 =	sadd.s32 $0xFFFFFEF7, lr;
	s5 =	simm.s32 $0xFFFFFFFF;
	p2 =	slt.u32 s8, $0xFFFFF086  }
0x1c: {  	p1 =	slt.u32 s9, $0xF7A;
	s5 =	simm.s32 @!p2 $0x0  }
0x1d: {  	s5 =	simm.s32 @p1 $0x1;
	p0 =	seq.s32 s7, s2  }
0x1e: {  	s7 =	smul.u32 @!p0 $0xF7A, s2;
	p2 =	seq.s32 @!p0 s5, $0x0  }
0x1f: {  	s9 =	smul.u32 $0xF7A, s1;
	s8 =	simm.s32 @!p0 $0x1BF5;
	p2 =	por !p2, p0  }
0x20: {  	[sflag:s8] =	ssyncset.s32 @!p0 $0xFFFFF086;
	s6 =	sadd.s32 @!p0 s3, s7;
	s7 =	simm.s32 @!p0 $0x108  }
0x21: {  	s3 =	sadd.s32 s3, s9;
	s6 =	sadd.s32 @!p0 $0x88, s6;
	s7 =	simm.s32 @p2 $0x1082  }
0x22: {  	[simem:s7], [sflag:s8] =	dma.local @!p0 [hbm:s6], $0xF7A  }
0x23: {  	s9 =	sor.u32 $0xD0000000, s2;
	s6 =	simm.s32 $0x108;
	_ =	swait.ge @!p0 [sflag:s8], $0x0  }
0x24: {  	s3 =	sadd.s32 $0x88, s3;
	s6 =	simm.s32 @!p1 $0x1082;
	[sflag:s4] =	ssyncset.s32 $0xFFFFF086  }
0x25: {  	[simem:s6], [sflag:s4] =	dma.local [hbm:s3], $0xF7A  }
0x26: {  	[smem:$0x3FA0] =	sst s1;
	(tag) =	ssettag s2;
	_ =	strace s9  }
0x27: {  	s1 =	sld [smem:$0x3FB0]  }
0x28: {  	s2 =	sld [smem:$0x3FB1]  }
0x29: {  	s4 =	sld [smem:$0x3FB3]  }
0x2a: {  	p0 =	seq.s32 s5, $0x0;
	s5 =	sld [smem:$0x3FB4]  }
0x2b: {  	s6 =	sld [smem:$0x3FB5]  }
0x2c: {  	s7 =	sld [smem:$0x3FB6]  }
0x2d: {  	s3 =	simm.s32 $0x108;
	s8 =	sld [smem:$0x3FB7]  }
0x2e: {  	s3 =	simm.s32 @!p0 $0x1082;
	s9 =	sld [smem:$0x3FB8]  }
0x2f: {  	lr =	sadd.s32 s0, s3;
	s0 =	sld [smem:$0x3FAF]  }
0x30: {  	s3 =	sld [smem:$0x3FB2]  }
0x31: {  	[smem:$0x3FBB] =	sst s10  }
0x32: {  	s10 =	sld [smem:$0x3FB9];
	_ =	sdelay $0x3  }
0x33: {  	p0 =	seq.s32 s10, $0x1;
	s10 =	sld [smem:$0x3FBB];
	_ =	sdelay $0x3  }
0x34: {  	[smem:$0x3FBB] =	sst s10  }
0x35: {  	s10 =	sld [smem:$0x3FBA];
	_ =	sdelay $0x3  }
0x36: {  	p1 =	seq.s32 s10, $0x1;
	s10 =	sld [smem:$0x3FBB];
	_ =	sdelay $0x3  }
0x37: {  	[smem:$0x3FBB] =	sst s10  }
0x38: {  	s10 =	sld [smem:$0x3FBC]  }
0x39: {  	_ = 	snop;
	(pc) =	sbr.ind lr, $3  }
0x3a: {  	_ = 	snop  }
0x3b: {  	_ = 	snop  }
0x3c: {  	p2 =	seq.s32 s10, $0x1;
	s10 =	sld [smem:$0x3FBB]  }
0x3d: {  	_ =	shalt  }
0x3e: {  	_ =	shalt  }
0x3f: {  	_ =	shalt  }
0x40: {  	_ =	shalt  }
0x41: {  	_ =	shalt  }
0x42: {  	_ =	shalt  }
0x43: {  	_ =	shalt  }
0x44: {  	_ =	shalt  }
0x45: {  	_ =	shalt  }
0x46: {  	_ =	shalt  }
0x47: {  	_ =	shalt  }
0x48: {  	_ =	shalt  }
0x49: {  	_ =	shalt  }
0x4a: {  	_ =	shalt  }
0x4b: {  	_ =	shalt  }
0x4c: {  	_ =	shalt  }
0x4d: {  	_ =	shalt  }
0x4e: {  	_ =	shalt  }
0x4f: {  	_ =	shalt  }
0x50: {  	_ =	shalt  }
0x51: {  	_ =	shalt  }
0x52: {  	_ =	shalt  }
0x53: {  	_ =	shalt  }
0x54: {  	_ =	shalt  }
0x55: {  	_ =	shalt  }
0x56: {  	_ =	shalt  }
0x57: {  	_ =	shalt  }
0x58: {  	_ =	shalt  }
0x59: {  	_ =	shalt  }
0x5a: {  	_ =	shalt  }
0x5b: {  	_ =	shalt  }
0x5c: {  	_ =	shalt  }
0x5d: {  	_ =	shalt  }
0x5e: {  	_ =	shalt  }
0x5f: {  	_ =	shalt  }
0x60: {  	_ =	shalt  }
0x61: {  	_ =	shalt  }
0x62: {  	_ =	shalt  }
0x63: {  	_ =	shalt  }
0x64: {  	_ =	shalt  }
0x65: {  	_ =	shalt  }
0x66: {  	_ =	shalt  }
0x67: {  	_ =	shalt  }
0x68: {  	_ =	shalt  }
0x69: {  	_ =	shalt  }
0x6a: {  	_ =	shalt  }
0x6b: {  	_ =	shalt  }
0x6c: {  	_ =	shalt  }
0x6d: {  	_ =	shalt  }
0x6e: {  	_ =	shalt  }
0x6f: {  	_ =	shalt  }
0x70: {  	_ =	shalt  }
0x71: {  	_ =	shalt  }
0x72: {  	_ =	shalt  }
0x73: {  	_ =	shalt  }
0x74: {  	_ =	shalt  }
0x75: {  	_ =	shalt  }
0x76: {  	_ =	shalt  }
0x77: {  	_ =	shalt  }
0x78: {  	_ =	shalt  }
0x79: {  	_ =	shalt  }
0x7a: {  	_ =	shalt  }
0x7b: {  	_ =	shalt  }
0x7c: {  	_ =	shalt  }
0x7d: {  	_ =	shalt  }
0x7e: {  	_ =	shalt  }
0x7f: {  	_ =	shalt  }
0x80: {  	_ =	shalt  }
0x81: {  	_ =	shalt  }
0x82: {  	_ =	shalt  }
0x83: {  	_ =	shalt  }
0x84: {  	_ =	shalt  }
0x85: {  	_ =	shalt  }
0x86: {  	_ =	shalt  }
0x87: {  	_ =	shalt  }
.Lfunc_end0:
.L_simem_size_0:
called_computation_lowered:
.L_overlay_start_0:
0x88: {  	s2 =	sld [smem:$0x3FD9]  }
0x89: {  	s3 =	sld [smem:$0x3FFE];
	_ =	sdelay $0x1  }
0x8a: {  	s1 =	srdreg.scid  }
0x8b: {  	s0 =	sand.u32 $0x1, s1  }
0x8c: {  	s18 =	sshll.u32 s0, $0xA;
	s2 =	sadd.s32 s3, s2  }
0x8d: {  	s2 =	sadd.s32 s2, s18  }
0x8e: {  	[smem:$0x3FC7] =	sst s2  }
0x8f: {  	_ = 	snop  }
0x90: {  	s2 =	sld [smem:$0x3FC9]  }
0x91: {  	s19 =	sld [smem:$0x3FD0];
	(tm) =	ssettm $0x1  }
0x92: {  	s4 =	sld [smem:$0x3FFB];
	_ =	sdelay $0x3  }
0x93: {  	_ =	strace s4  }
0x94: {  	s4 =	sld [smem:$0x3FFC];
	_ =	sdelay $0x3  }
0x95: {  	_ =	strace s4  }
0x96: {  	s4 =	sld [smem:$0x3FFD];
	_ =	sdelay $0x3  }
0x97: {  	_ =	strace s4  }
0x98: {  	_ =	strace $0x8FFFFFFF  }
0x99: {  	s20 =	sld [smem:$0x3FDB];
	_ =	sdelay $0x1  }
0x9a: {  	s5 =	simm.s32 $_scs_section_size  }
0x9b: {  	s6 =	simm.s32 $_size__tile_overlayer_lowered;
	s7 =	simm.s32 $_tile_overlayer_lowered  }
0x9c: {  	s23 =	simm.s32 $0x1BFF;
	s22 =	sshll.u32 s7, $0x1;
	s4 =	sadd.s32 s5, s20  }
0x9d: {  	s8 =	simm.s32 $0x0;
	s21 =	sshll.u32 s6, $0x1;
	s6 =	sadd.s32 s22, s4  }
0x9e: {  	[timem:s8], [sflag:s23] =	dma.local [hbm:s6], s21  }
0x9f: {  	_ =	swait.ge [sflag:s23], s21  }
0xa0: {  	s5 =	ssub.s32 $0x0, s21;
	[sflag:s23] =	ssyncset.done $0x0  }
0xa1: {  	[sflag:s23] =	ssyncadd.s32 s5;
	_ =	sdelay $0x1  }
0xa2: {  	s24 =	simm.s32 $0x1B8B  }
0xa3: {  	_ =	swait.ge [sflag:s24], $0x1  }
0xa4: {  	[sflag:s24] =	ssyncset.done $0x0  }
0xa5: {  	s25 =	simm.s32 $0x1B8E;
	[sflag:s24] =	ssyncadd.s32 $0xFFFFFFFF  }
0xa6: {  	s26 =	simm.s32 $execute0_lowered;
	[smem:$0x3FD2] =	sst s25  }
0xa7: {  	s5 =	sshll.u32 s26, $0x1;
	_ =	strace $0x80000046;
	[dreg:$0x1] =	wrdreg $0xFFFFFFFF  }
0xa8: {  	s28 =	simm.s32 $_size_execute0_lowered;
	s4 =	sadd.s32 s4, s5;
	[dreg:$0x0] =	wrdreg $0x0  }
0xa9: {  	s5 =	sshll.u32 s28, $0x1;
	[dreg:$0x2] =	wrdreg s4  }
0xaa: {  	[dreg:$0x3] =	wrdreg s5  }
0xab: {  	[dreg:$0x4] =	wrdreg $0xC0  }
0xac: {  	_ =	task [dreg:s8], $0x5FFFF  }
0xad: {  	[dreg:$0x1] =	wrdreg $0xFFFFFFFF  }
0xae: {  	[dreg:$0x0] =	wrdreg $0x60  }
0xaf: {  	[dreg:$0x2] =	wrdreg s2  }
0xb0: {  	[dreg:$0x3] =	wrdreg s19  }
0xb1: {  	[dreg:$0x4] =	wrdreg $0x9  }
0xb2: {  	_ =	task.clear_ibuf [dreg:s8], $0x5FFFF;
	_ =	strace $0x90000046  }
0xb3: {  	s29 =	simm.s32 $0x9;
	_ =	strace $0x80000048  }
0xb4: {  	_ =	swait.ge [sflag:s29], $0x1  }
0xb5: {  	[sflag:s29] =	ssyncadd.s32 $0xFFFFFFFF  }
0xb6: {  	_ =	strace $0x90000048  }
0xb7: {  	_ =	sfence  }
0xb8: {  	s30 =	sld [smem:$0x0];
	_ =	sdelay $0x2  }
0xb9: {  	s31 =	sshll.u32 s1, $0xD;
	s1 =	sshrl.u32 s1, $0x2  }
0xba: {  	s3 =	sand.u32 $0x4000, s31;
	s1 =	sadd.s32 s1, s30  }
0xbb: {  	s0 =	sor.u32 s3, s0;
	s1 =	sshll.u32 s1, $0x11  }
0xbc: {  	s0 =	sor.u32 s1, s0  }
0xbd: {  	s0 =	sadd.s32 $0x8F2B, s0  }
0xbe: {  	[sflag:s0] =	ssyncadd.remote.s32 $0x1  }
0xbf: {  	_ =	sfence.sel $0xFFFF  }
0xc0: {  	[dreg:$0x0] =	wrdreg $0xFFFFFFFF;
	(pc) =	sbr.abs _section_cstart, $3  }
0xc1: {  	[dreg:$0x1] =	wrdreg $0xFFFFFFFF  }
0xc2: {  	_ =	task.clear_ibuf [dreg:s8], $0x2FFFF;
	_ =	strace $0x9FFFFFFF  }
0xc3: {  	(tm) =	ssettm $0x7FFFFFFF  }
tec
execute0_lowered:
.L_overlay_start_1:
0x0: {  	(tag) =	ssettag $0x1  }
0x1: {  	s0 =	stileid.u32;
	s1 =	srdreg.scid  }
0x2: {  	s3 =	rddreg [dreg:$0x1];
	s11 =	simm.s32 $0x800;
	s12 =	simm.s32 $0x8000  }
0x3: {  	s13 =	simm.s32 $0x1;
	s14 =	simm.s32 $0x10000;
	s15 =	simm.s32 $0x2  }
0x4: {  	s16 =	simm.s32 $0x4;
	s17 =	simm.s32 $0x18000;
	s18 =	simm.s32 $0x3  }
0x5: {  	s19 =	simm.s32 $0x0;
	s2 =	sshll.u32 s0, $0x1;
	s6 =	sand.u32 $0x1, s1  }
0x6: {  	s4 =	sshll.u32 s0, $0x15;
	s30 =	sand.u32 $0xE, s2;
	s2 =	rddreg [dreg:$0x0]  }
0x7: {  	s4 =	sand.u32 $0x1000000, s4;
	s7 =	ssub.s32 $0x2, s6;
	s1 =	sor.u32 s6, s30  }
.Ltmp0:
0x8: {  	s8 =	sshrl.u32 s7, $0x1;
	s5 =	sshll.u32 s1, $0xB;
	(pc) =	sbr.rel .LBB2_1-.Ltmp0, $4  }
0x9: {  	s1 =	rddreg [dreg:$0x2];
	s10 =	ssub.s32 s7, s8;
	s4 =	sor.u32 s4, s5  }
0xa: {  	s5 =	simm.s32 $0x0;
	s10 =	smax.u32 s10, $0x1;
	s31 =	sshrl.u32 s4, $0x3  }
0xb: {  	[smem:$0x7FF] =	sst s5;
	s8 =	sor.u32 $0x100000, s4;
	s6 =	sadd.s32 s2, s31  }
0xc: {  	s9 =	sor.u32 $0x180000, s4;
	_ =	strace $0x80000047;
	s7 =	sadd.s32 $0x10000, s6  }
.LBB2_12:
0xd: {  	s19 =	sadd.s32 $0x1, s19  }
0xe: {  	_ =	swait.ge [sflag:s18], $0x8000;
	p0 =	sne.s32 s19, s10  }
.Ltmp1:
0xf: {  	[sflag:s18] =	ssyncset.done $0x0;
	(pc) =	sbr.rel @!p0 .LBB2_13-.Ltmp1, $4  }
0x10: {  	[sflag:s18] =	ssyncadd.s32 $0xFFFF8000  }
0x11: {  	_ =	swait.ge [sflag:s16], $0x8000  }
0x12: {  	[sflag:s16] =	ssyncset.done $0x0  }
0x13: {  	[sflag:s16] =	ssyncadd.s32 $0xFFFF8000  }
.LBB2_1:
0x14: {  	v0 =	vimm.f32 $0.0e+00  }
0x15: {  	v1 =	vimm.f32 $0.0e+00;
	v25 =	vimm.f32 $0.0e+00;
	v19 =	vimm.f32 $0.0e+00  }
0x16: {  	v27 =	vimm.f32 $0.0e+00;
	v22 =	vimm.f32 $0.0e+00;
	v29 =	vimm.f32 $0.0e+00  }
0x17: {  	[tilespmem:s5], [sflag:$0x1] =	stream.strided.gather [hbm4b:s6+s11], $0x8000, s12, s11, $0x38;
	v23 =	vimm.f32 $0.0e+00;
	v30 =	vimm.f32 $0.0e+00;
	v26 =	vimm.f32 $0.0e+00;
	v63 =	vld [tilespmem:$0x0]  }
0x18: {  	v24 =	vimm.f32 $0.0e+00;
	v28 =	vimm.f32 $0.0e+00;
	v20 =	vimm.f32 $0.0e+00;
	s20 =	simm.s32 $0x0  }
0x19: {  	v21 =	vimm.f32 $0.0e+00;
	v18 =	vimm.f32 $0.0e+00;
	v17 =	vimm.f32 $0.0e+00;
	[tilespmem:s12], [sflag:$0x2] =	stream.strided.gather [hbm4b:s7+s11], $0x8000, s12, s11, $0x38;
	v63 =	vld [tilespmem:$0x0]  }
.LBB2_2:
0x1a: {  	_ =	swait.ge [sflag:s13], $0x8000  }
0x1b: {  	p0 =	seq.s32 s20, $0x0;
	[sflag:s13] =	ssyncset.done $0x0  }
0x1c: {  	s21 =	simm.s32 @!p0 $0x3;
	[sflag:s13] =	ssyncadd.s32 $0xFFFF8000  }
0x1d: {  	s22 =	simm.s32 $0x0;
	_ =	swait.ge @!p0 [sflag:s21], $0x8000  }
0x1e: {  	s23 =	sand.u32 $0x7800, s22;
	s22 =	sand.u32 $0x300, s22;
	[sflag:s21] =	ssyncset.done @!p0 $0x0  }
0x1f: {  	s22 =	sor.u32 s22, s23;
	[sflag:s21] =	ssyncadd.s32 @!p0 $0xFFFF8000  }
0x20: {  	v2 =	vld [tilespmem:s22+$0x80]  }
0x21: {  	v4 =	vld [tilespmem:s22+$0xA0]  }
0x22: {  	v3 =	vld [tilespmem:s22+$0xC0]  }
0x23: {  	v5 =	vld [tilespmem:s22+$0xE0]  }
0x24: {  	v6 =	vld [tilespmem:s22+$0x480]  }
0x25: {  	v7 =	vld [tilespmem:s22+$0x4A0]  }
0x26: {  	v10 =	vld [tilespmem:s22+$0x4C0]  }
0x27: {  	v35 =	vld [tilespmem:s22+$0x4E0]  }
0x28: {  	v8 =	vld [tilespmem:s22+$0x0]  }
0x29: {  	v9 =	vld [tilespmem:s22+$0x10]  }
0x2a: {  	v11 =	vld [tilespmem:s22+$0x20]  }
0x2b: {  	v12 =	vld [tilespmem:s22+$0x30]  }
0x2c: {  	v13 =	vld [tilespmem:s22+$0x40]  }
0x2d: {  	v14 =	vld [tilespmem:s22+$0x50]  }
0x2e: {  	v15 =	vld [tilespmem:s22+$0x60]  }
0x2f: {  	v16 =	vld [tilespmem:s22+$0x70]  }
0x30: {  	v34 =	vld [tilespmem:s22+$0x400]  }
0x31: {  	v36 =	vld [tilespmem:s22+$0x410]  }
0x32: {  	v37 =	vld [tilespmem:s22+$0x420]  }
0x33: {  	v38 =	vld [tilespmem:s22+$0x430]  }
0x34: {  	v39 =	vld [tilespmem:s22+$0x440]  }
0x35: {  	v40 =	vld [tilespmem:s22+$0x470];
	v17 =	vadd.f32 v8, v17;
	v18 =	vadd.f32 v9, v18  }
0x36: {  	v8 =	vld [tilespmem:s22+$0x460];
	v21 =	vadd.f32 v11, v21;
	v20 =	vadd.f32 v12, v20  }
0x37: {  	v41 =	vld [tilespmem:s22+$0x450];
	v28 =	vadd.f32 v13, v28;
	v24 =	vadd.f32 v14, v24;
	[tilespmem:s22+$0x10000] =	vst v17  }
0x38: {  	v42 =	vld [tilespmem:s22+$0x4F0];
	v32 =	vadd.f32 v15, v26;
	v26 =	vadd.f32 v16, v30;
	[tilespmem:s22+$0x10010] =	vst v18  }
0x39: {  	v31 =	vld [tilespmem:s22+$0x4D0];
	v14 =	vadd.f32 v34, v23;
	v12 =	vadd.f32 v36, v29;
	[tilespmem:s22+$0x10020] =	vst v21  }
0x3a: {  	v33 =	vld [tilespmem:s22+$0x4B0];
	v13 =	vadd.f32 v37, v22;
	v11 =	vadd.f32 v38, v27;
	[tilespmem:s22+$0x10030] =	vst v20  }
0x3b: {  	v29 =	vld [tilespmem:s22+$0x490];
	[tilespmem:s22+$0x10040] =	vst v28;
	v9 =	vadd.f32 v8, v1;
	v8 =	vadd.f32 v40, v0  }
0x3c: {  	s24 =	simm.s32 $0x100;
	v30 =	vld [tilespmem:s22+$0xF0];
	v16 =	vadd.f32 v39, v19;
	v15 =	vadd.f32 v41, v25;
	[tilespmem:s22+$0x10050] =	vst v24  }
0x3d: {  	s25 =	simm.s32 $0x200;
	s23 =	simm.s32 $0x0;
	s21 =	sshll.u32 s20, $0x14;
	v34 =	vld [tilespmem:s22+$0xD0];
	[tilespmem:s22+$0x10060] =	vst v32;
	v0 =	vadd.f32 v35, v9;
	v1 =	vadd.f32 v42, v8  }
.LBB2_3:
0x3e: {  	s26 =	sand.u32 $0x7800, s25;
	s28 =	sand.u32 $0x300, s24;
	[tilespmem:s22+$0x10070] =	vst v26;
	v19 =	vld [tilespmem:s22+$0xB0];
	v22 =	vadd.f32 v10, v16;
	v23 =	vadd.f32 v31, v15  }
0x3f: {  	v25 =	vadd.f32 v7, v13;
	s26 =	sor.u32 s28, s26;
	v10 =	vld [tilespmem:s22+$0x90];
	v27 =	vadd.f32 v33, v11;
	[tilespmem:s22+$0x104E0] =	vst v0  }
0x40: {  	v33 =	vadd.f32 v6, v14;
	v31 =	vld [tilespmem:s26+$0x80];
	v29 =	vadd.f32 v29, v12;
	[tilespmem:s22+$0x104C0] =	vst v22  }
0x41: {  	v32 =	vadd.f32 v5, v32;
	v35 =	vld [tilespmem:s26+$0xA0];
	v26 =	vadd.f32 v30, v26;
	[tilespmem:s22+$0x104A0] =	vst v25  }
0x42: {  	v28 =	vadd.f32 v3, v28;
	v3 =	vld [tilespmem:s26+$0xC0];
	v24 =	vadd.f32 v34, v24;
	[tilespmem:s22+$0x10480] =	vst v33  }
0x43: {  	v21 =	vadd.f32 v4, v21;
	v5 =	vld [tilespmem:s26+$0xE0];
	v19 =	vadd.f32 v19, v20;
	[tilespmem:s22+$0x100E0] =	vst v32  }
0x44: {  	v17 =	vadd.f32 v2, v17;
	v6 =	vld [tilespmem:s26+$0x480];
	v18 =	vadd.f32 v10, v18;
	[tilespmem:s22+$0x100C0] =	vst v28  }
0x45: {  	v7 =	vld [tilespmem:s26+$0x4A0];
	[tilespmem:s22+$0x100A0] =	vst v21;
	v2 =	vmov v31  }
0x46: {  	v10 =	vld [tilespmem:s26+$0x4C0];
	[tilespmem:s22+$0x10080] =	vst v17;
	v4 =	vmov v35  }
0x47: {  	v35 =	vld [tilespmem:s26+$0x4E0];
	[tilespmem:s22+$0x10090] =	vst v18  }
0x48: {  	v20 =	vld [tilespmem:s26+$0x0];
	[tilespmem:s22+$0x100B0] =	vst v19  }
0x49: {  	v30 =	vld [tilespmem:s26+$0x10];
	[tilespmem:s22+$0x100D0] =	vst v24  }
0x4a: {  	v31 =	vld [tilespmem:s26+$0x20];
	[tilespmem:s22+$0x100F0] =	vst v26  }
0x4b: {  	v34 =	vld [tilespmem:s26+$0x30];
	[tilespmem:s22+$0x10490] =	vst v29  }
0x4c: {  	v36 =	vld [tilespmem:s26+$0x40];
	[tilespmem:s22+$0x104B0] =	vst v27  }
0x4d: {  	v37 =	vld [tilespmem:s26+$0x50];
	[tilespmem:s22+$0x104D0] =	vst v23  }
0x4e: {  	v38 =	vld [tilespmem:s26+$0x60];
	[tilespmem:s22+$0x104F0] =	vst v1  }
0x4f: {  	v39 =	vld [tilespmem:s26+$0x70];
	[tilespmem:s22+$0x10400] =	vst v14  }
0x50: {  	v14 =	vld [tilespmem:s26+$0x400];
	[tilespmem:s22+$0x10410] =	vst v12  }
0x51: {  	v12 =	vld [tilespmem:s26+$0x410];
	[tilespmem:s22+$0x10420] =	vst v13  }
0x52: {  	v13 =	vld [tilespmem:s26+$0x420];
	[tilespmem:s22+$0x10430] =	vst v11  }
0x53: {  	v11 =	vld [tilespmem:s26+$0x430];
	[tilespmem:s22+$0x10440] =	vst v16  }
0x54: {  	s23 =	sadd.s32 $0x2, s23;
	v16 =	vld [tilespmem:s26+$0x440];
	[tilespmem:s22+$0x10450] =	vst v15  }
0x55: {  	p1 =	slt.u32 s23, $0x7E;
	v17 =	vadd.f32 v20, v17;
	v18 =	vadd.f32 v30, v18;
	v15 =	vld [tilespmem:s26+$0x460];
	[tilespmem:s22+$0x10460] =	vst v9  }
0x56: {  	v21 =	vadd.f32 v31, v21;
	v20 =	vadd.f32 v34, v19;
	v19 =	vld [tilespmem:s26+$0x470];
	[tilespmem:s22+$0x10470] =	vst v8;
	s22 =	smov.u32 s26  }
0x57: {  	v28 =	vadd.f32 v36, v28;
	v24 =	vadd.f32 v37, v24;
	[tilespmem:s22+$0x10000] =	vst v17;
	v30 =	vld [tilespmem:s22+$0x450]  }
0x58: {  	v32 =	vadd.f32 v38, v32;
	v26 =	vadd.f32 v39, v26;
	[tilespmem:s22+$0x10010] =	vst v18;
	v36 =	vld [tilespmem:s22+$0x4F0]  }
.Ltmp2:
0x59: {  	v14 =	vadd.f32 v14, v33;
	v12 =	vadd.f32 v12, v29;
	[tilespmem:s22+$0x10020] =	vst v21;
	v31 =	vld [tilespmem:s22+$0x4D0];
	(pc) =	sbr.rel @p1 .LBB2_3-.Ltmp2, $4  }
0x5a: {  	v13 =	vadd.f32 v13, v25;
	v11 =	vadd.f32 v11, v27;
	[tilespmem:s22+$0x10030] =	vst v20;
	v33 =	vld [tilespmem:s22+$0x4B0]  }
0x5b: {  	v9 =	vadd.f32 v15, v0;
	[tilespmem:s22+$0x10040] =	vst v28;
	v8 =	vadd.f32 v19, v1;
	v29 =	vld [tilespmem:s22+$0x490]  }
0x5c: {  	v16 =	vadd.f32 v16, v22;
	[tilespmem:s22+$0x10050] =	vst v24;
	v15 =	vadd.f32 v30, v23;
	v30 =	vld [tilespmem:s22+$0xF0]  }
0x5d: {  	s24 =	sadd.s32 $0x100, s24;
	s25 =	sadd.s32 $0x200, s25;
	v0 =	vadd.f32 v35, v9;
	[tilespmem:s22+$0x10060] =	vst v32;
	v34 =	vld [tilespmem:s22+$0xD0];
	v1 =	vadd.f32 v36, v8  }
0x5e: {  	[tilespmem:s22+$0x10070] =	vst v26  }
0x5f: {  	[tilespmem:s22+$0x10400] =	vst v14  }
0x60: {  	[tilespmem:s22+$0x10410] =	vst v12  }
0x61: {  	[tilespmem:s22+$0x10420] =	vst v13  }
0x62: {  	[tilespmem:s22+$0x10430] =	vst v11  }
0x63: {  	[tilespmem:s22+$0x10440] =	vst v16  }
0x64: {  	[tilespmem:s22+$0x10450] =	vst v15  }
0x65: {  	[tilespmem:s22+$0x10460] =	vst v9  }
0x66: {  	[tilespmem:s22+$0x10470] =	vst v8  }
0x67: {  	v19 =	vadd.f32 v10, v16;
	[tilespmem:s22+$0x104E0] =	vst v0  }
0x68: {  	v22 =	vadd.f32 v7, v13;
	[tilespmem:s22+$0x104F0] =	vst v1  }
0x69: {  	v23 =	vadd.f32 v6, v14;
	[tilespmem:s22+$0x104C0] =	vst v19  }
0x6a: {  	v25 =	vadd.f32 v5, v32;
	[tilespmem:s22+$0x104A0] =	vst v22  }
0x6b: {  	v27 =	vadd.f32 v3, v28;
	[tilespmem:s22+$0x10480] =	vst v23  }
0x6c: {  	v21 =	vadd.f32 v4, v21;
	[tilespmem:s22+$0x100E0] =	vst v25  }
0x6d: {  	v17 =	vadd.f32 v2, v17;
	[tilespmem:s22+$0x100C0] =	vst v27  }
0x6e: {  	v62 =	vld [tilespmem:s22+$0x90];
	v28 =	vadd.f32 v33, v11;
	[tilespmem:s22+$0x100A0] =	vst v21  }
0x6f: {  	v35 =	vld [tilespmem:s22+$0xB0];
	[tilespmem:s22+$0x10080] =	vst v17;
	v29 =	vadd.f32 v29, v12  }
0x70: {  	v30 =	vadd.f32 v30, v26;
	[tilespmem:s22+$0x104B0] =	vst v28  }
0x71: {  	v26 =	vadd.f32 v31, v15;
	[tilespmem:s22+$0x10490] =	vst v29  }
0x72: {  	v24 =	vadd.f32 v34, v24;
	[tilespmem:s22+$0x100F0] =	vst v30  }
0x73: {  	p1 =	sne.s32 s20, $0xF;
	v18 =	vadd.f32 v62, v18;
	[tilespmem:s22+$0x104D0] =	vst v26  }
.Ltmp3:
0x74: {  	v20 =	vadd.f32 v35, v20;
	[tilespmem:s22+$0x100D0] =	vst v24;
	(pc) =	sbr.rel @p1 .LBB2_6-.Ltmp3, $4  }
0x75: {  	s23 =	sor.u32 s21, s4;
	[tilespmem:s22+$0x10090] =	vst v18  }
0x76: {  	[tilespmem:s22+$0x100B0] =	vst v20;
	s22 =	sshrl.u32 s23, $0x3  }
0x77: {  	[bflag:$0x0] =	sbarrier.arrive $0xFFFF;
	s23 =	sadd.s32 s3, s22  }
0x78: {  	[hbm4b:s23+s11] =	stream.strided.scatter [tilespmem:s14], [sflag:$0x3], $0x8000, s12, s11, $0x38;
	v63 =	vld [tilespmem:$0x0]  }
.Ltmp4:
0x79: {  	(pc) =	sbr.rel .LBB2_7-.Ltmp4, $4  }
0x7a: {  	_ = 	snop  }
0x7b: {  	_ =	swait.ge [sflag:s15], $0x8000  }
0x7c: {  	[sflag:s15] =	ssyncset.done $0x0  }
0x7d: {  	[sflag:s15] =	ssyncadd.s32 $0xFFFF8000  }
.LBB2_6:
0x7e: {  	s23 =	sadd.s32 s21, s8  }
0x7f: {  	s23 =	sshrl.u32 s23, $0x3  }
.Ltmp5:
0x80: {  	s23 =	sadd.s32 s2, s23;
	(pc) =	sbr.rel @p0 .LBB2_8-.Ltmp5, $4  }
0x81: {  	[tilespmem:s5], [sflag:$0x1] =	stream.strided.gather [hbm4b:s23+s11], $0x8000, s12, s11, $0x38;
	v63 =	vld [tilespmem:$0x0]  }
0x82: {  	_ =	swait.ge [sflag:s15], $0x8000  }
0x83: {  	[sflag:s15] =	ssyncset.done $0x0  }
0x84: {  	[sflag:s15] =	ssyncadd.s32 $0xFFFF8000  }
.LBB2_7:
0x85: {  	_ =	swait.ge [sflag:s16], $0x8000  }
0x86: {  	[sflag:s16] =	ssyncset.done $0x0  }
0x87: {  	[sflag:s16] =	ssyncadd.s32 $0xFFFF8000  }
.LBB2_8:
0x88: {  	s23 =	simm.s32 $0x0  }
0x89: {  	s24 =	sand.u32 $0x7800, s23;
	s23 =	sand.u32 $0x300, s23  }
0x8a: {  	s23 =	sor.u32 s23, s24  }
0x8b: {  	v2 =	vld [tilespmem:s23+$0x8080]  }
0x8c: {  	v4 =	vld [tilespmem:s23+$0x80A0]  }
0x8d: {  	v3 =	vld [tilespmem:s23+$0x80C0]  }
0x8e: {  	v5 =	vld [tilespmem:s23+$0x80E0]  }
0x8f: {  	v6 =	vld [tilespmem:s23+$0x8480]  }
0x90: {  	v7 =	vld [tilespmem:s23+$0x84A0]  }
0x91: {  	v10 =	vld [tilespmem:s23+$0x84C0]  }
0x92: {  	v35 =	vld [tilespmem:s23+$0x84E0]  }
0x93: {  	v8 =	vld [tilespmem:s23+$0x8000]  }
0x94: {  	v9 =	vld [tilespmem:s23+$0x8010]  }
0x95: {  	v11 =	vld [tilespmem:s23+$0x8020]  }
0x96: {  	v12 =	vld [tilespmem:s23+$0x8030]  }
0x97: {  	v13 =	vld [tilespmem:s23+$0x8040]  }
0x98: {  	v14 =	vld [tilespmem:s23+$0x8050]  }
0x99: {  	v15 =	vld [tilespmem:s23+$0x8060]  }
0x9a: {  	v16 =	vld [tilespmem:s23+$0x8070]  }
0x9b: {  	v34 =	vld [tilespmem:s23+$0x8400]  }
0x9c: {  	v36 =	vld [tilespmem:s23+$0x8410]  }
0x9d: {  	v37 =	vld [tilespmem:s23+$0x8420]  }
0x9e: {  	v38 =	vld [tilespmem:s23+$0x8430]  }
0x9f: {  	v39 =	vld [tilespmem:s23+$0x8440]  }
0xa0: {  	v40 =	vld [tilespmem:s23+$0x8470];
	v17 =	vadd.f32 v8, v17;
	v18 =	vadd.f32 v9, v18  }
0xa1: {  	v8 =	vld [tilespmem:s23+$0x8460];
	v21 =	vadd.f32 v11, v21;
	v20 =	vadd.f32 v12, v20  }
0xa2: {  	v41 =	vld [tilespmem:s23+$0x8450];
	v27 =	vadd.f32 v13, v27;
	v24 =	vadd.f32 v14, v24;
	[tilespmem:s23+$0x18000] =	vst v17  }
0xa3: {  	v42 =	vld [tilespmem:s23+$0x84F0];
	v32 =	vadd.f32 v15, v25;
	v25 =	vadd.f32 v16, v30;
	[tilespmem:s23+$0x18010] =	vst v18  }
0xa4: {  	v31 =	vld [tilespmem:s23+$0x84D0];
	v14 =	vadd.f32 v34, v23;
	v12 =	vadd.f32 v36, v29;
	[tilespmem:s23+$0x18020] =	vst v21  }
0xa5: {  	v33 =	vld [tilespmem:s23+$0x84B0];
	v13 =	vadd.f32 v37, v22;
	v11 =	vadd.f32 v38, v28;
	[tilespmem:s23+$0x18030] =	vst v20  }
0xa6: {  	v29 =	vld [tilespmem:s23+$0x8490];
	[tilespmem:s23+$0x18040] =	vst v27;
	v9 =	vadd.f32 v8, v0;
	v8 =	vadd.f32 v40, v1  }
0xa7: {  	v30 =	vld [tilespmem:s23+$0x80F0];
	v16 =	vadd.f32 v39, v19;
	v15 =	vadd.f32 v41, v26;
	[tilespmem:s23+$0x18050] =	vst v24  }
0xa8: {  	s25 =	simm.s32 $0x100;
	s26 =	simm.s32 $0x200;
	s24 =	simm.s32 $0x0;
	v34 =	vld [tilespmem:s23+$0x80D0];
	[tilespmem:s23+$0x18060] =	vst v32;
	v1 =	vadd.f32 v35, v9;
	v0 =	vadd.f32 v42, v8  }
.LBB2_9:
0xa9: {  	s28 =	sand.u32 $0x7800, s26;
	s29 =	sand.u32 $0x300, s25;
	[tilespmem:s23+$0x18070] =	vst v25;
	v19 =	vld [tilespmem:s23+$0x80B0];
	v22 =	vadd.f32 v10, v16;
	v23 =	vadd.f32 v31, v15  }
0xaa: {  	v26 =	vadd.f32 v7, v13;
	s28 =	sor.u32 s29, s28;
	v10 =	vld [tilespmem:s23+$0x8090];
	v28 =	vadd.f32 v33, v11;
	[tilespmem:s23+$0x184E0] =	vst v1  }
0xab: {  	v33 =	vadd.f32 v6, v14;
	v31 =	vld [tilespmem:s28+$0x8080];
	v29 =	vadd.f32 v29, v12;
	[tilespmem:s23+$0x184C0] =	vst v22  }
0xac: {  	v32 =	vadd.f32 v5, v32;
	v35 =	vld [tilespmem:s28+$0x80A0];
	v25 =	vadd.f32 v30, v25;
	[tilespmem:s23+$0x184A0] =	vst v26  }
0xad: {  	v27 =	vadd.f32 v3, v27;
	v3 =	vld [tilespmem:s28+$0x80C0];
	v24 =	vadd.f32 v34, v24;
	[tilespmem:s23+$0x18480] =	vst v33  }
0xae: {  	v21 =	vadd.f32 v4, v21;
	v5 =	vld [tilespmem:s28+$0x80E0];
	v19 =	vadd.f32 v19, v20;
	[tilespmem:s23+$0x180E0] =	vst v32  }
0xaf: {  	v17 =	vadd.f32 v2, v17;
	v6 =	vld [tilespmem:s28+$0x8480];
	v18 =	vadd.f32 v10, v18;
	[tilespmem:s23+$0x180C0] =	vst v27  }
0xb0: {  	v7 =	vld [tilespmem:s28+$0x84A0];
	[tilespmem:s23+$0x180A0] =	vst v21;
	v2 =	vmov v31  }
0xb1: {  	v10 =	vld [tilespmem:s28+$0x84C0];
	[tilespmem:s23+$0x18080] =	vst v17;
	v4 =	vmov v35  }
0xb2: {  	v35 =	vld [tilespmem:s28+$0x84E0];
	[tilespmem:s23+$0x18090] =	vst v18  }
0xb3: {  	v20 =	vld [tilespmem:s28+$0x8000];
	[tilespmem:s23+$0x180B0] =	vst v19  }
0xb4: {  	v30 =	vld [tilespmem:s28+$0x8010];
	[tilespmem:s23+$0x180D0] =	vst v24  }
0xb5: {  	v31 =	vld [tilespmem:s28+$0x8020];
	[tilespmem:s23+$0x180F0] =	vst v25  }
0xb6: {  	v34 =	vld [tilespmem:s28+$0x8030];
	[tilespmem:s23+$0x18490] =	vst v29  }
0xb7: {  	v36 =	vld [tilespmem:s28+$0x8040];
	[tilespmem:s23+$0x184B0] =	vst v28  }
0xb8: {  	v37 =	vld [tilespmem:s28+$0x8050];
	[tilespmem:s23+$0x184D0] =	vst v23  }
0xb9: {  	v38 =	vld [tilespmem:s28+$0x8060];
	[tilespmem:s23+$0x184F0] =	vst v0  }
0xba: {  	v39 =	vld [tilespmem:s28+$0x8070];
	[tilespmem:s23+$0x18400] =	vst v14  }
0xbb: {  	v14 =	vld [tilespmem:s28+$0x8400];
	[tilespmem:s23+$0x18410] =	vst v12  }
0xbc: {  	v12 =	vld [tilespmem:s28+$0x8410];
	[tilespmem:s23+$0x18420] =	vst v13  }
0xbd: {  	v13 =	vld [tilespmem:s28+$0x8420];
	[tilespmem:s23+$0x18430] =	vst v11  }
0xbe: {  	v11 =	vld [tilespmem:s28+$0x8430];
	[tilespmem:s23+$0x18440] =	vst v16  }
0xbf: {  	s24 =	sadd.s32 $0x2, s24;
	v16 =	vld [tilespmem:s28+$0x8440];
	[tilespmem:s23+$0x18450] =	vst v15  }
0xc0: {  	p0 =	slt.u32 s24, $0x7E;
	v17 =	vadd.f32 v20, v17;
	v18 =	vadd.f32 v30, v18;
	v15 =	vld [tilespmem:s28+$0x8460];
	[tilespmem:s23+$0x18460] =	vst v9  }
0xc1: {  	v21 =	vadd.f32 v31, v21;
	v20 =	vadd.f32 v34, v19;
	v19 =	vld [tilespmem:s28+$0x8470];
	[tilespmem:s23+$0x18470] =	vst v8;
	s23 =	smov.u32 s28  }
0xc2: {  	v27 =	vadd.f32 v36, v27;
	v24 =	vadd.f32 v37, v24;
	[tilespmem:s23+$0x18000] =	vst v17;
	v30 =	vld [tilespmem:s23+$0x8450]  }
0xc3: {  	v32 =	vadd.f32 v38, v32;
	v25 =	vadd.f32 v39, v25;
	[tilespmem:s23+$0x18010] =	vst v18;
	v36 =	vld [tilespmem:s23+$0x84F0]  }
.Ltmp6:
0xc4: {  	v14 =	vadd.f32 v14, v33;
	v12 =	vadd.f32 v12, v29;
	[tilespmem:s23+$0x18020] =	vst v21;
	v31 =	vld [tilespmem:s23+$0x84D0];
	(pc) =	sbr.rel @p0 .LBB2_9-.Ltmp6, $4  }
0xc5: {  	v13 =	vadd.f32 v13, v26;
	v11 =	vadd.f32 v11, v28;
	[tilespmem:s23+$0x18030] =	vst v20;
	v33 =	vld [tilespmem:s23+$0x84B0]  }
0xc6: {  	v9 =	vadd.f32 v15, v1;
	[tilespmem:s23+$0x18040] =	vst v27;
	v8 =	vadd.f32 v19, v0;
	v29 =	vld [tilespmem:s23+$0x8490]  }
0xc7: {  	v16 =	vadd.f32 v16, v22;
	[tilespmem:s23+$0x18050] =	vst v24;
	v15 =	vadd.f32 v30, v23;
	v30 =	vld [tilespmem:s23+$0x80F0]  }
0xc8: {  	s25 =	sadd.s32 $0x100, s25;
	s26 =	sadd.s32 $0x200, s26;
	v1 =	vadd.f32 v35, v9;
	[tilespmem:s23+$0x18060] =	vst v32;
	v34 =	vld [tilespmem:s23+$0x80D0];
	v0 =	vadd.f32 v36, v8  }
0xc9: {  	[tilespmem:s23+$0x18070] =	vst v25  }
0xca: {  	[tilespmem:s23+$0x18400] =	vst v14  }
0xcb: {  	[tilespmem:s23+$0x18410] =	vst v12  }
0xcc: {  	[tilespmem:s23+$0x18420] =	vst v13  }
0xcd: {  	[tilespmem:s23+$0x18430] =	vst v11  }
0xce: {  	[tilespmem:s23+$0x18440] =	vst v16  }
0xcf: {  	[tilespmem:s23+$0x18450] =	vst v15  }
0xd0: {  	[tilespmem:s23+$0x18460] =	vst v9  }
0xd1: {  	[tilespmem:s23+$0x18470] =	vst v8  }
0xd2: {  	v19 =	vadd.f32 v10, v16;
	[tilespmem:s23+$0x184E0] =	vst v1  }
0xd3: {  	v22 =	vadd.f32 v7, v13;
	[tilespmem:s23+$0x184F0] =	vst v0  }
0xd4: {  	v23 =	vadd.f32 v6, v14;
	[tilespmem:s23+$0x184C0] =	vst v19  }
0xd5: {  	v26 =	vadd.f32 v5, v32;
	[tilespmem:s23+$0x184A0] =	vst v22  }
0xd6: {  	v28 =	vadd.f32 v3, v27;
	[tilespmem:s23+$0x18480] =	vst v23  }
0xd7: {  	v21 =	vadd.f32 v4, v21;
	[tilespmem:s23+$0x180E0] =	vst v26  }
0xd8: {  	v17 =	vadd.f32 v2, v17;
	[tilespmem:s23+$0x180C0] =	vst v28  }
0xd9: {  	v62 =	vld [tilespmem:s23+$0x8090];
	v27 =	vadd.f32 v33, v11;
	[tilespmem:s23+$0x180A0] =	vst v21  }
0xda: {  	v35 =	vld [tilespmem:s23+$0x80B0];
	[tilespmem:s23+$0x18080] =	vst v17;
	v29 =	vadd.f32 v29, v12  }
0xdb: {  	v30 =	vadd.f32 v30, v25;
	[tilespmem:s23+$0x184B0] =	vst v27  }
0xdc: {  	v25 =	vadd.f32 v31, v15;
	[tilespmem:s23+$0x18490] =	vst v29  }
0xdd: {  	v24 =	vadd.f32 v34, v24;
	[tilespmem:s23+$0x180F0] =	vst v30  }
0xde: {  	p0 =	seq.s32 s20, $0xF;
	v18 =	vadd.f32 v62, v18;
	[tilespmem:s23+$0x184D0] =	vst v25  }
.Ltmp7:
0xdf: {  	v20 =	vadd.f32 v35, v20;
	[tilespmem:s23+$0x180D0] =	vst v24;
	(pc) =	sbr.rel @p0 .LBB2_12-.Ltmp7, $4  }
0xe0: {  	[tilespmem:s23+$0x18090] =	vst v18  }
0xe1: {  	s22 =	sor.u32 $0x10000, s22;
	[tilespmem:s23+$0x180B0] =	vst v20  }
0xe2: {  	s22 =	sadd.s32 s3, s22;
	[bflag:$0x0] =	sbarrier.arrive $0xFFFF  }
0xe3: {  	[hbm4b:s22+s11] =	stream.strided.scatter [tilespmem:s17], [sflag:$0x4], $0x8000, s12, s11, $0x38;
	v63 =	vld [tilespmem:$0x0]  }
.Ltmp8:
0xe4: {  	(pc) =	sbr.rel .LBB2_2-.Ltmp8, $4  }
0xe5: {  	s21 =	sadd.s32 s21, s9  }
0xe6: {  	s21 =	sshrl.u32 s21, $0x3  }
0xe7: {  	s20 =	sadd.s32 $0x1, s20;
	s21 =	sadd.s32 s2, s21  }
0xe8: {  	[tilespmem:s12], [sflag:$0x2] =	stream.strided.gather [hbm4b:s21+s11], $0x8000, s12, s11, $0x38;
	v63 =	vld [tilespmem:$0x0]  }
.LBB2_13:
0xe9: {  	_ =	sfence.sel $0x180000  }
0xea: {  	[bflag:$0x0] =	sbarrier.arrive $0xFFFF  }
0xeb: {  	p0 =	sne.s32 s0, $0x0;
	_ =	strace $0x90000047  }
0xec: {  	s0 =	sadd.s32 @!p0 $0x100000, s1;
	[bflag:$0x2] =	sbarrier.arrive $0xFFFF  }
0xed: {  	[sflag:s0] =	ssyncadd.tile.s32 @!p0 $0x1;
	_ =	shalt  }
.Lfunc_end2:
_tile_overlayer_lowered:
.L_overlay_start_2:
0xee: {  	(tag) =	ssettag $0x2  }
0xef: {  	s0 =	rddreg [dreg:$0x0];
	s2 =	stileid.u32  }
0xf0: {  	s1 =	rddreg [dreg:$0x1];
	p0 =	sne.s32 s2, $0x0  }
0xf1: {  	s3 =	rddreg [dreg:$0x2];
	[bflag:$0x3] =	sbarrier.arrive $0xFFFF;
	s2 =	simm.s32 @!p0 $0x1C05  }
0xf2: {  	[timem:s3], [sflag:s2] =	dma.local @!p0 [hbm:s0], s1  }
0xf3: {  	s0 =	simm.s32 @!p0 $0x5  }
0xf4: {  	_ =	swait.ge @!p0 [sflag:s0], s1  }
0xf5: {  	s1 =	ssub.s32 @!p0 $0x0, s1;
	[sflag:s0] =	ssyncset.done @!p0 $0x0  }
0xf6: {  	[sflag:s0] =	ssyncadd.s32 @!p0 s1  }
0xf7: {  	[bflag:$0x3] =	sbarrier.arrive $0xFFFF  }
0xf8: {  	_ =	shalt  }

</sc_bundles>
